<compile_context>
chip_gen: v7x
topology: tpu7x:2x2x1
jax: 0.10.2.dev20260603
libtpu: 0.0.44.dev20260713+nightly
codegen_flags: <defaults>
</compile_context>

<pallas_src>
import functools

import jax
import jax.numpy as jnp
from jax import lax
from jax.experimental import pallas as pl
from jax.experimental.pallas import tpu as pltpu
from jax.experimental.pallas import tpu_sc as plsc

V = 1024
D = 1024
B = 4096 * 50
NC, NS = 2, 16
NW = NC * NS
BPW = B // NW
C = 16
NBUF = 4
NCH = BPW // C


def _emb_body(idx_hbm, table_hbm, out_hbm, idx_v, rows, sg, ss):
    wid = lax.axis_index("s") * NC + lax.axis_index("c")
    base = wid * BPW
    pltpu.sync_copy(idx_hbm.at[wid], idx_v)

    def gather(j, b):
        pltpu.async_copy(
            table_hbm.at[idx_v.at[pl.ds(j * C, C)]], rows[b], sg[b])

    def wait_gather(j, b):
        pltpu.make_async_copy(
            table_hbm.at[idx_v.at[pl.ds(j * C, C)]], rows[b], sg[b]).wait()

    def scatter(j, b):
        pltpu.async_copy(rows[b], out_hbm.at[pl.ds(base + j * C, C)], ss[b])

    def wait_scatter(b):
        pltpu.make_async_copy(rows[b], out_hbm.at[pl.ds(base, C)],
                              ss[b]).wait()

    for b in range(NBUF):
        gather(b, b)

    def body(i, carry):
        j0 = i * NBUF
        for b in range(NBUF):
            wait_gather(j0 + b, b)
            scatter(j0 + b, b)
        for b in range(NBUF):
            @pl.when(j0 + b + NBUF < NCH)
            def _(b=b):
                wait_scatter(b)
                gather(j0 + b + NBUF, b)
        return carry

    lax.fori_loop(0, NCH // NBUF, body, 0, unroll=False)
    for b in range(NBUF):
        wait_scatter(b)


@jax.jit
def kernel(indices, emb_weight):
    idx = indices.reshape(NW, BPW).astype(jnp.int32)
    mesh = plsc.VectorSubcoreMesh(core_axis_name="c", subcore_axis_name="s")

    def wrapped(idx_hbm, table_hbm, out_hbm, idx_v, r0, r1, r2, r3,
                g0, g1, g2, g3, s0, s1, s2, s3):
        _emb_body(idx_hbm, table_hbm, out_hbm, idx_v,
                  [r0, r1, r2, r3], [g0, g1, g2, g3], [s0, s1, s2, s3])

    fn = pl.kernel(
        wrapped,
        out_type=jax.ShapeDtypeStruct((B, D), jnp.float32),
        mesh=mesh,
        scratch_types=[
            pltpu.VMEM((BPW,), jnp.int32),
            pltpu.VMEM((C, D), jnp.float32),
            pltpu.VMEM((C, D), jnp.float32),
            pltpu.VMEM((C, D), jnp.float32),
            pltpu.VMEM((C, D), jnp.float32),
            pltpu.SemaphoreType.DMA,
            pltpu.SemaphoreType.DMA,
            pltpu.SemaphoreType.DMA,
            pltpu.SemaphoreType.DMA,
            pltpu.SemaphoreType.DMA,
            pltpu.SemaphoreType.DMA,
            pltpu.SemaphoreType.DMA,
            pltpu.SemaphoreType.DMA,
        ],
    )
    out = fn(idx, emb_weight)
    return out.reshape(4096, 50, D)

# --- scband reference (transcript-rebuilt; emitter-appended) ---
"""Pipeline reference for scband-prompt-tuning-embedding-120259084776 (READ-ONLY COPY).

The authoritative reference and input builder live on the scoring server;
editing this copy changes nothing except your own understanding.
"""

import jax, jax.numpy as jnp
import numpy as np

TOTAL_VIRTUAL_TOKENS = 1024  # 512 * 2
TOKEN_DIM = 1024

def setup_inputs(seed: int = 0) -> dict:
    key = jax.random.key(seed)
    k1, k2 = jax.random.split(key)
    indices = jax.random.randint(k1, (4096, 50), 0, TOTAL_VIRTUAL_TOKENS, dtype=jnp.int64) if jax.config.jax_enable_x64 else jax.random.randint(k1, (4096, 50), 0, TOTAL_VIRTUAL_TOKENS, dtype=jnp.int32)
    emb_weight = jax.random.normal(k2, (TOTAL_VIRTUAL_TOKENS, TOKEN_DIM), dtype=jnp.float32)
    return {"indices": indices, "emb_weight": emb_weight}

def reference(indices, emb_weight):
    # PromptTuningEmbedding.forward: prompt_embeddings = self.embedding(indices)
    prompt_embeddings = jnp.take(emb_weight, indices, axis=0)
    return prompt_embeddings

if __name__ == "__main__":
    import jax
    _d = setup_inputs()
    print(jax.jit(kernel)(*tuple(_d.values())))

</pallas_src>

<mosaic_0001>
#map = affine_map<(d0, d1) -> (0, 0)>
module attributes {stable_mosaic.version = 14 : i64} {
  func.func @wrapped(%arg0: i32, %arg1: i32, %arg2: memref<32x6400xi32, #tpu.memory_space<hbm>>, %arg3: memref<1024x1024xf32, #tpu.memory_space<hbm>>, %arg4: memref<204800x1024xf32, #tpu.memory_space<hbm>>, %arg5: memref<6400xi32, #tpu.memory_space<vmem>>, %arg6: memref<16x1024xf32, #tpu.memory_space<vmem>>, %arg7: memref<16x1024xf32, #tpu.memory_space<vmem>>, %arg8: memref<16x1024xf32, #tpu.memory_space<vmem>>, %arg9: memref<16x1024xf32, #tpu.memory_space<vmem>>, %arg10: memref<!tpu.dma_semaphore, #tpu.memory_space<semaphore_mem>>, %arg11: memref<!tpu.dma_semaphore, #tpu.memory_space<semaphore_mem>>, %arg12: memref<!tpu.dma_semaphore, #tpu.memory_space<semaphore_mem>>, %arg13: memref<!tpu.dma_semaphore, #tpu.memory_space<semaphore_mem>>, %arg14: memref<!tpu.dma_semaphore, #tpu.memory_space<semaphore_mem>>, %arg15: memref<!tpu.dma_semaphore, #tpu.memory_space<semaphore_mem>>, %arg16: memref<!tpu.dma_semaphore, #tpu.memory_space<semaphore_mem>>, %arg17: memref<!tpu.dma_semaphore, #tpu.memory_space<semaphore_mem>>) attributes {dimension_semantics = [#tpu.dimension_semantics<core_parallel>, #tpu.dimension_semantics<subcore_parallel>], iteration_bounds = array<i64: 2, 16>, scalar_prefetch = 0 : i64, scratch_operands = 13 : i64, tpu.core_type = #tpu.core_type<sc_vector_subcore>, window_params = [{transform_indices = #map}, {transform_indices = #map}, {transform_indices = #map}]} {
    %mul3A = arith.constant 2 : i32
    %mul3A_0 = arith.muli %arg1, %mul3A : i32
    %add3A = arith.addi %mul3A_0, %arg0 : i32
    %mul3A_1 = arith.constant 6400 : i32
    %mul3A_2 = arith.muli %add3A, %mul3A_1 : i32
    "tpu.region"() ({
      %run_scoped3A = tpu.sem_alloc : memref<!tpu.dma_semaphore, #tpu.memory_space<semaphore_mem>>
      %dma_start3A_42 = arith.constant 0 : i32
      %dma_start3A_43 = tpu.memref_slice %arg2[%add3A, %dma_start3A_42] : memref<32x6400xi32, #tpu.memory_space<hbm>> -> memref<1x6400xi32, #tpu.memory_space<hbm>>
      %dma_start3A_44 = tpu.memref_squeeze %dma_start3A_43 : memref<1x6400xi32, #tpu.memory_space<hbm>> -> memref<6400xi32, #tpu.memory_space<hbm>>
      %dma_start3A_45 = arith.constant 0 : i32
      %dma_start3A_46 = tpu.memref_slice %arg2[%add3A, %dma_start3A_45] : memref<32x6400xi32, #tpu.memory_space<hbm>> -> memref<1x6400xi32, #tpu.memory_space<hbm>>
      %dma_start3A_47 = tpu.memref_squeeze %dma_start3A_46 : memref<1x6400xi32, #tpu.memory_space<hbm>> -> memref<6400xi32, #tpu.memory_space<hbm>>
      tpu.enqueue_dma source(%dma_start3A_47 : memref<6400xi32, #tpu.memory_space<hbm>>) target(%arg5 : memref<6400xi32, #tpu.memory_space<vmem>>) target_semaphore(%run_scoped3A : memref<!tpu.dma_semaphore, #tpu.memory_space<semaphore_mem>>)
      %dma_wait3A_48 = arith.constant 0 : i32
      %dma_wait3A_49 = tpu.memref_slice %arg2[%add3A, %dma_wait3A_48] : memref<32x6400xi32, #tpu.memory_space<hbm>> -> memref<1x6400xi32, #tpu.memory_space<hbm>>
      %dma_wait3A_50 = tpu.memref_squeeze %dma_wait3A_49 : memref<1x6400xi32, #tpu.memory_space<hbm>> -> memref<6400xi32, #tpu.memory_space<hbm>>
      %dma_wait3A_51 = arith.constant 0 : i32
      %dma_wait3A_52 = tpu.memref_slice %arg2[%add3A, %dma_wait3A_51] : memref<32x6400xi32, #tpu.memory_space<hbm>> -> memref<1x6400xi32, #tpu.memory_space<hbm>>
      %dma_wait3A_53 = tpu.memref_squeeze %dma_wait3A_52 : memref<1x6400xi32, #tpu.memory_space<hbm>> -> memref<6400xi32, #tpu.memory_space<hbm>>
      tpu.wait_dma2 semaphore(%run_scoped3A : memref<!tpu.dma_semaphore, #tpu.memory_space<semaphore_mem>>) src(%dma_wait3A_53 : memref<6400xi32, #tpu.memory_space<hbm>>) dst(%arg5 : memref<6400xi32, #tpu.memory_space<vmem>>)
      tpu.yield
    }) : () -> ()
    %dma_start3A = arith.constant 0 : i32
    %dma_start3A_3 = tpu.memref_slice %arg5[%dma_start3A] : memref<6400xi32, #tpu.memory_space<vmem>> -> memref<16xi32, #tpu.memory_space<vmem>>
    %dma_start3A_4 = arith.constant 0 : i32
    %dma_start3A_5 = arith.constant 0 : i32
    %dma_start3A_6 = tpu.memref_slice %arg3[%dma_start3A_4, %dma_start3A_5] : memref<1024x1024xf32, #tpu.memory_space<hbm>> -> memref<1024x1024xf32, #tpu.memory_space<hbm>>
    tpu.enqueue_indirect_dma source(%dma_start3A_6 : memref<1024x1024xf32, #tpu.memory_space<hbm>>) target(%arg6 : memref<16x1024xf32, #tpu.memory_space<vmem>>) offsets(%dma_start3A_3 : memref<16xi32, #tpu.memory_space<vmem>>) semaphore(%arg10 : memref<!tpu.dma_semaphore, #tpu.memory_space<semaphore_mem>>)
    %dma_start3A_7 = arith.constant 16 : i32
    %dma_start3A_8 = tpu.memref_slice %arg5[%dma_start3A_7] : memref<6400xi32, #tpu.memory_space<vmem>> -> memref<16xi32, #tpu.memory_space<vmem>>
    %dma_start3A_9 = arith.constant 0 : i32
    %dma_start3A_10 = arith.constant 0 : i32
    %dma_start3A_11 = tpu.memref_slice %arg3[%dma_start3A_9, %dma_start3A_10] : memref<1024x1024xf32, #tpu.memory_space<hbm>> -> memref<1024x1024xf32, #tpu.memory_space<hbm>>
    tpu.enqueue_indirect_dma source(%dma_start3A_11 : memref<1024x1024xf32, #tpu.memory_space<hbm>>) target(%arg7 : memref<16x1024xf32, #tpu.memory_space<vmem>>) offsets(%dma_start3A_8 : memref<16xi32, #tpu.memory_space<vmem>>) semaphore(%arg11 : memref<!tpu.dma_semaphore, #tpu.memory_space<semaphore_mem>>)
    %dma_start3A_12 = arith.constant 32 : i32
    %dma_start3A_13 = tpu.memref_slice %arg5[%dma_start3A_12] : memref<6400xi32, #tpu.memory_space<vmem>> -> memref<16xi32, #tpu.memory_space<vmem>>
    %dma_start3A_14 = arith.constant 0 : i32
    %dma_start3A_15 = arith.constant 0 : i32
    %dma_start3A_16 = tpu.memref_slice %arg3[%dma_start3A_14, %dma_start3A_15] : memref<1024x1024xf32, #tpu.memory_space<hbm>> -> memref<1024x1024xf32, #tpu.memory_space<hbm>>
    tpu.enqueue_indirect_dma source(%dma_start3A_16 : memref<1024x1024xf32, #tpu.memory_space<hbm>>) target(%arg8 : memref<16x1024xf32, #tpu.memory_space<vmem>>) offsets(%dma_start3A_13 : memref<16xi32, #tpu.memory_space<vmem>>) semaphore(%arg12 : memref<!tpu.dma_semaphore, #tpu.memory_space<semaphore_mem>>)
    %dma_start3A_17 = arith.constant 48 : i32
    %dma_start3A_18 = tpu.memref_slice %arg5[%dma_start3A_17] : memref<6400xi32, #tpu.memory_space<vmem>> -> memref<16xi32, #tpu.memory_space<vmem>>
    %dma_start3A_19 = arith.constant 0 : i32
    %dma_start3A_20 = arith.constant 0 : i32
    %dma_start3A_21 = tpu.memref_slice %arg3[%dma_start3A_19, %dma_start3A_20] : memref<1024x1024xf32, #tpu.memory_space<hbm>> -> memref<1024x1024xf32, #tpu.memory_space<hbm>>
    tpu.enqueue_indirect_dma source(%dma_start3A_21 : memref<1024x1024xf32, #tpu.memory_space<hbm>>) target(%arg9 : memref<16x1024xf32, #tpu.memory_space<vmem>>) offsets(%dma_start3A_18 : memref<16xi32, #tpu.memory_space<vmem>>) semaphore(%arg13 : memref<!tpu.dma_semaphore, #tpu.memory_space<semaphore_mem>>)
    %scan3A = arith.constant 0 : i32
    %scan3A_22 = arith.constant 0 : i32
    %scan3A_23 = arith.constant 100 : i32
    %scan3A_24 = arith.addi %scan3A_22, %scan3A_23 : i32
    %scan3A_25 = arith.constant 1 : i32
    scf.for %scan3A_42 = %scan3A_22 to %scan3A_24 step %scan3A_25  : i32 {
      %mul3A_43 = arith.constant 4 : i32
      %mul3A_44 = arith.muli %scan3A_42, %mul3A_43 : i32
      %add3A_45 = arith.constant 0 : i32
      %add3A_46 = arith.addi %mul3A_44, %add3A_45 : i32
      %mul3A_47 = arith.constant 16 : i32
      %mul3A_48 = arith.muli %add3A_46, %mul3A_47 : i32
      %dma_wait3A_49 = tpu.memref_slice %arg5[%mul3A_48] : memref<6400xi32, #tpu.memory_space<vmem>> -> memref<16xi32, #tpu.memory_space<vmem>>
      %dma_wait3A_50 = arith.constant 0 : i32
      %dma_wait3A_51 = arith.constant 0 : i32
      %dma_wait3A_52 = tpu.memref_slice %arg3[%dma_wait3A_50, %dma_wait3A_51] : memref<1024x1024xf32, #tpu.memory_space<hbm>> -> memref<1024x1024xf32, #tpu.memory_space<hbm>>
      tpu.wait_indirect_dma semaphore(%arg10 : memref<!tpu.dma_semaphore, #tpu.memory_space<semaphore_mem>>) src(%dma_wait3A_52 : memref<1024x1024xf32, #tpu.memory_space<hbm>>) dst(%arg6 : memref<16x1024xf32, #tpu.memory_space<vmem>>)
      %add3A_53 = arith.constant 0 : i32
      %add3A_54 = arith.addi %mul3A_44, %add3A_53 : i32
      %mul3A_55 = arith.constant 16 : i32
      %mul3A_56 = arith.muli %add3A_54, %mul3A_55 : i32
      %add3A_57 = arith.addi %mul3A_2, %mul3A_56 : i32
      %dma_start3A_58 = arith.constant 0 : i32
      %dma_start3A_59 = tpu.memref_slice %arg4[%add3A_57, %dma_start3A_58] : memref<204800x1024xf32, #tpu.memory_space<hbm>> -> memref<16x1024xf32, #tpu.memory_space<hbm>>
      %dma_start3A_60 = arith.constant 0 : i32
      %dma_start3A_61 = tpu.memref_slice %arg4[%add3A_57, %dma_start3A_60] : memref<204800x1024xf32, #tpu.memory_space<hbm>> -> memref<16x1024xf32, #tpu.memory_space<hbm>>
      tpu.enqueue_dma source(%arg6 : memref<16x1024xf32, #tpu.memory_space<vmem>>) target(%dma_start3A_61 : memref<16x1024xf32, #tpu.memory_space<hbm>>) target_semaphore(%arg14 : memref<!tpu.dma_semaphore, #tpu.memory_space<semaphore_mem>>)
      %add3A_62 = arith.constant 1 : i32
      %add3A_63 = arith.addi %mul3A_44, %add3A_62 : i32
      %mul3A_64 = arith.constant 16 : i32
      %mul3A_65 = arith.muli %add3A_63, %mul3A_64 : i32
      %dma_wait3A_66 = tpu.memref_slice %arg5[%mul3A_65] : memref<6400xi32, #tpu.memory_space<vmem>> -> memref<16xi32, #tpu.memory_space<vmem>>
      %dma_wait3A_67 = arith.constant 0 : i32
      %dma_wait3A_68 = arith.constant 0 : i32
      %dma_wait3A_69 = tpu.memref_slice %arg3[%dma_wait3A_67, %dma_wait3A_68] : memref<1024x1024xf32, #tpu.memory_space<hbm>> -> memref<1024x1024xf32, #tpu.memory_space<hbm>>
      tpu.wait_indirect_dma semaphore(%arg11 : memref<!tpu.dma_semaphore, #tpu.memory_space<semaphore_mem>>) src(%dma_wait3A_69 : memref<1024x1024xf32, #tpu.memory_space<hbm>>) dst(%arg7 : memref<16x1024xf32, #tpu.memory_space<vmem>>)
      %add3A_70 = arith.constant 1 : i32
      %add3A_71 = arith.addi %mul3A_44, %add3A_70 : i32
      %mul3A_72 = arith.constant 16 : i32
      %mul3A_73 = arith.muli %add3A_71, %mul3A_72 : i32
      %add3A_74 = arith.addi %mul3A_2, %mul3A_73 : i32
      %dma_start3A_75 = arith.constant 0 : i32
      %dma_start3A_76 = tpu.memref_slice %arg4[%add3A_74, %dma_start3A_75] : memref<204800x1024xf32, #tpu.memory_space<hbm>> -> memref<16x1024xf32, #tpu.memory_space<hbm>>
      %dma_start3A_77 = arith.constant 0 : i32
      %dma_start3A_78 = tpu.memref_slice %arg4[%add3A_74, %dma_start3A_77] : memref<204800x1024xf32, #tpu.memory_space<hbm>> -> memref<16x1024xf32, #tpu.memory_space<hbm>>
      tpu.enqueue_dma source(%arg7 : memref<16x1024xf32, #tpu.memory_space<vmem>>) target(%dma_start3A_78 : memref<16x1024xf32, #tpu.memory_space<hbm>>) target_semaphore(%arg15 : memref<!tpu.dma_semaphore, #tpu.memory_space<semaphore_mem>>)
      %add3A_79 = arith.constant 2 : i32
      %add3A_80 = arith.addi %mul3A_44, %add3A_79 : i32
      %mul3A_81 = arith.constant 16 : i32
      %mul3A_82 = arith.muli %add3A_80, %mul3A_81 : i32
      %dma_wait3A_83 = tpu.memref_slice %arg5[%mul3A_82] : memref<6400xi32, #tpu.memory_space<vmem>> -> memref<16xi32, #tpu.memory_space<vmem>>
      %dma_wait3A_84 = arith.constant 0 : i32
      %dma_wait3A_85 = arith.constant 0 : i32
      %dma_wait3A_86 = tpu.memref_slice %arg3[%dma_wait3A_84, %dma_wait3A_85] : memref<1024x1024xf32, #tpu.memory_space<hbm>> -> memref<1024x1024xf32, #tpu.memory_space<hbm>>
      tpu.wait_indirect_dma semaphore(%arg12 : memref<!tpu.dma_semaphore, #tpu.memory_space<semaphore_mem>>) src(%dma_wait3A_86 : memref<1024x1024xf32, #tpu.memory_space<hbm>>) dst(%arg8 : memref<16x1024xf32, #tpu.memory_space<vmem>>)
      %add3A_87 = arith.constant 2 : i32
      %add3A_88 = arith.addi %mul3A_44, %add3A_87 : i32
      %mul3A_89 = arith.constant 16 : i32
      %mul3A_90 = arith.muli %add3A_88, %mul3A_89 : i32
      %add3A_91 = arith.addi %mul3A_2, %mul3A_90 : i32
      %dma_start3A_92 = arith.constant 0 : i32
      %dma_start3A_93 = tpu.memref_slice %arg4[%add3A_91, %dma_start3A_92] : memref<204800x1024xf32, #tpu.memory_space<hbm>> -> memref<16x1024xf32, #tpu.memory_space<hbm>>
      %dma_start3A_94 = arith.constant 0 : i32
      %dma_start3A_95 = tpu.memref_slice %arg4[%add3A_91, %dma_start3A_94] : memref<204800x1024xf32, #tpu.memory_space<hbm>> -> memref<16x1024xf32, #tpu.memory_space<hbm>>
      tpu.enqueue_dma source(%arg8 : memref<16x1024xf32, #tpu.memory_space<vmem>>) target(%dma_start3A_95 : memref<16x1024xf32, #tpu.memory_space<hbm>>) target_semaphore(%arg16 : memref<!tpu.dma_semaphore, #tpu.memory_space<semaphore_mem>>)
      %add3A_96 = arith.constant 3 : i32
      %add3A_97 = arith.addi %mul3A_44, %add3A_96 : i32
      %mul3A_98 = arith.constant 16 : i32
      %mul3A_99 = arith.muli %add3A_97, %mul3A_98 : i32
      %dma_wait3A_100 = tpu.memref_slice %arg5[%mul3A_99] : memref<6400xi32, #tpu.memory_space<vmem>> -> memref<16xi32, #tpu.memory_space<vmem>>
      %dma_wait3A_101 = arith.constant 0 : i32
      %dma_wait3A_102 = arith.constant 0 : i32
      %dma_wait3A_103 = tpu.memref_slice %arg3[%dma_wait3A_101, %dma_wait3A_102] : memref<1024x1024xf32, #tpu.memory_space<hbm>> -> memref<1024x1024xf32, #tpu.memory_space<hbm>>
      tpu.wait_indirect_dma semaphore(%arg13 : memref<!tpu.dma_semaphore, #tpu.memory_space<semaphore_mem>>) src(%dma_wait3A_103 : memref<1024x1024xf32, #tpu.memory_space<hbm>>) dst(%arg9 : memref<16x1024xf32, #tpu.memory_space<vmem>>)
      %add3A_104 = arith.constant 3 : i32
      %add3A_105 = arith.addi %mul3A_44, %add3A_104 : i32
      %mul3A_106 = arith.constant 16 : i32
      %mul3A_107 = arith.muli %add3A_105, %mul3A_106 : i32
      %add3A_108 = arith.addi %mul3A_2, %mul3A_107 : i32
      %dma_start3A_109 = arith.constant 0 : i32
      %dma_start3A_110 = tpu.memref_slice %arg4[%add3A_108, %dma_start3A_109] : memref<204800x1024xf32, #tpu.memory_space<hbm>> -> memref<16x1024xf32, #tpu.memory_space<hbm>>
      %dma_start3A_111 = arith.constant 0 : i32
      %dma_start3A_112 = tpu.memref_slice %arg4[%add3A_108, %dma_start3A_111] : memref<204800x1024xf32, #tpu.memory_space<hbm>> -> memref<16x1024xf32, #tpu.memory_space<hbm>>
      tpu.enqueue_dma source(%arg9 : memref<16x1024xf32, #tpu.memory_space<vmem>>) target(%dma_start3A_112 : memref<16x1024xf32, #tpu.memory_space<hbm>>) target_semaphore(%arg17 : memref<!tpu.dma_semaphore, #tpu.memory_space<semaphore_mem>>)
      %add3A_113 = arith.constant 0 : i32
      %add3A_114 = arith.addi %mul3A_44, %add3A_113 : i32
      %add3A_115 = arith.constant 4 : i32
      %add3A_116 = arith.addi %add3A_114, %add3A_115 : i32
      %lt3A = arith.constant 400 : i32
      %lt3A_117 = arith.cmpi slt, %add3A_116, %lt3A : i32
      %convert_element_type3A = arith.extui %lt3A_117 : i1 to i32
      %cond3A = arith.constant 0 : i32
      %cond3A_118 = arith.cmpi ne, %convert_element_type3A, %cond3A : i32
      scf.if %cond3A_118 {
        %dma_wait3A_146 = arith.constant 0 : i32
        %dma_wait3A_147 = tpu.memref_slice %arg4[%mul3A_2, %dma_wait3A_146] : memref<204800x1024xf32, #tpu.memory_space<hbm>> -> memref<16x1024xf32, #tpu.memory_space<hbm>>
        %dma_wait3A_148 = arith.constant 0 : i32
        %dma_wait3A_149 = tpu.memref_slice %arg4[%mul3A_2, %dma_wait3A_148] : memref<204800x1024xf32, #tpu.memory_space<hbm>> -> memref<16x1024xf32, #tpu.memory_space<hbm>>
        tpu.wait_dma2 semaphore(%arg14 : memref<!tpu.dma_semaphore, #tpu.memory_space<semaphore_mem>>) src(%arg6 : memref<16x1024xf32, #tpu.memory_space<vmem>>) dst(%dma_wait3A_149 : memref<16x1024xf32, #tpu.memory_space<hbm>>)
        %add3A_150 = arith.constant 0 : i32
        %add3A_151 = arith.addi %mul3A_44, %add3A_150 : i32
        %add3A_152 = arith.constant 4 : i32
        %add3A_153 = arith.addi %add3A_151, %add3A_152 : i32
        %mul3A_154 = arith.constant 16 : i32
        %mul3A_155 = arith.muli %add3A_153, %mul3A_154 : i32
        %dma_start3A_156 = tpu.memref_slice %arg5[%mul3A_155] : memref<6400xi32, #tpu.memory_space<vmem>> -> memref<16xi32, #tpu.memory_space<vmem>>
        %dma_start3A_157 = arith.constant 0 : i32
        %dma_start3A_158 = arith.constant 0 : i32
        %dma_start3A_159 = tpu.memref_slice %arg3[%dma_start3A_157, %dma_start3A_158] : memref<1024x1024xf32, #tpu.memory_space<hbm>> -> memref<1024x1024xf32, #tpu.memory_space<hbm>>
        tpu.enqueue_indirect_dma source(%dma_start3A_159 : memref<1024x1024xf32, #tpu.memory_space<hbm>>) target(%arg6 : memref<16x1024xf32, #tpu.memory_space<vmem>>) offsets(%dma_start3A_156 : memref<16xi32, #tpu.memory_space<vmem>>) semaphore(%arg10 : memref<!tpu.dma_semaphore, #tpu.memory_space<semaphore_mem>>)
      } else {
      }
      %add3A_119 = arith.constant 1 : i32
      %add3A_120 = arith.addi %mul3A_44, %add3A_119 : i32
      %add3A_121 = arith.constant 4 : i32
      %add3A_122 = arith.addi %add3A_120, %add3A_121 : i32
      %lt3A_123 = arith.constant 400 : i32
      %lt3A_124 = arith.cmpi slt, %add3A_122, %lt3A_123 : i32
      %convert_element_type3A_125 = arith.extui %lt3A_124 : i1 to i32
      %cond3A_126 = arith.constant 0 : i32
      %cond3A_127 = arith.cmpi ne, %convert_element_type3A_125, %cond3A_126 : i32
      scf.if %cond3A_127 {
        %dma_wait3A_146 = arith.constant 0 : i32
        %dma_wait3A_147 = tpu.memref_slice %arg4[%mul3A_2, %dma_wait3A_146] : memref<204800x1024xf32, #tpu.memory_space<hbm>> -> memref<16x1024xf32, #tpu.memory_space<hbm>>
        %dma_wait3A_148 = arith.constant 0 : i32
        %dma_wait3A_149 = tpu.memref_slice %arg4[%mul3A_2, %dma_wait3A_148] : memref<204800x1024xf32, #tpu.memory_space<hbm>> -> memref<16x1024xf32, #tpu.memory_space<hbm>>
        tpu.wait_dma2 semaphore(%arg15 : memref<!tpu.dma_semaphore, #tpu.memory_space<semaphore_mem>>) src(%arg7 : memref<16x1024xf32, #tpu.memory_space<vmem>>) dst(%dma_wait3A_149 : memref<16x1024xf32, #tpu.memory_space<hbm>>)
        %add3A_150 = arith.constant 1 : i32
        %add3A_151 = arith.addi %mul3A_44, %add3A_150 : i32
        %add3A_152 = arith.constant 4 : i32
        %add3A_153 = arith.addi %add3A_151, %add3A_152 : i32
        %mul3A_154 = arith.constant 16 : i32
        %mul3A_155 = arith.muli %add3A_153, %mul3A_154 : i32
        %dma_start3A_156 = tpu.memref_slice %arg5[%mul3A_155] : memref<6400xi32, #tpu.memory_space<vmem>> -> memref<16xi32, #tpu.memory_space<vmem>>
        %dma_start3A_157 = arith.constant 0 : i32
        %dma_start3A_158 = arith.constant 0 : i32
        %dma_start3A_159 = tpu.memref_slice %arg3[%dma_start3A_157, %dma_start3A_158] : memref<1024x1024xf32, #tpu.memory_space<hbm>> -> memref<1024x1024xf32, #tpu.memory_space<hbm>>
        tpu.enqueue_indirect_dma source(%dma_start3A_159 : memref<1024x1024xf32, #tpu.memory_space<hbm>>) target(%arg7 : memref<16x1024xf32, #tpu.memory_space<vmem>>) offsets(%dma_start3A_156 : memref<16xi32, #tpu.memory_space<vmem>>) semaphore(%arg11 : memref<!tpu.dma_semaphore, #tpu.memory_space<semaphore_mem>>)
      } else {
      }
      %add3A_128 = arith.constant 2 : i32
      %add3A_129 = arith.addi %mul3A_44, %add3A_128 : i32
      %add3A_130 = arith.constant 4 : i32
      %add3A_131 = arith.addi %add3A_129, %add3A_130 : i32
      %lt3A_132 = arith.constant 400 : i32
      %lt3A_133 = arith.cmpi slt, %add3A_131, %lt3A_132 : i32
      %convert_element_type3A_134 = arith.extui %lt3A_133 : i1 to i32
      %cond3A_135 = arith.constant 0 : i32
      %cond3A_136 = arith.cmpi ne, %convert_element_type3A_134, %cond3A_135 : i32
      scf.if %cond3A_136 {
        %dma_wait3A_146 = arith.constant 0 : i32
        %dma_wait3A_147 = tpu.memref_slice %arg4[%mul3A_2, %dma_wait3A_146] : memref<204800x1024xf32, #tpu.memory_space<hbm>> -> memref<16x1024xf32, #tpu.memory_space<hbm>>
        %dma_wait3A_148 = arith.constant 0 : i32
        %dma_wait3A_149 = tpu.memref_slice %arg4[%mul3A_2, %dma_wait3A_148] : memref<204800x1024xf32, #tpu.memory_space<hbm>> -> memref<16x1024xf32, #tpu.memory_space<hbm>>
        tpu.wait_dma2 semaphore(%arg16 : memref<!tpu.dma_semaphore, #tpu.memory_space<semaphore_mem>>) src(%arg8 : memref<16x1024xf32, #tpu.memory_space<vmem>>) dst(%dma_wait3A_149 : memref<16x1024xf32, #tpu.memory_space<hbm>>)
        %add3A_150 = arith.constant 2 : i32
        %add3A_151 = arith.addi %mul3A_44, %add3A_150 : i32
        %add3A_152 = arith.constant 4 : i32
        %add3A_153 = arith.addi %add3A_151, %add3A_152 : i32
        %mul3A_154 = arith.constant 16 : i32
        %mul3A_155 = arith.muli %add3A_153, %mul3A_154 : i32
        %dma_start3A_156 = tpu.memref_slice %arg5[%mul3A_155] : memref<6400xi32, #tpu.memory_space<vmem>> -> memref<16xi32, #tpu.memory_space<vmem>>
        %dma_start3A_157 = arith.constant 0 : i32
        %dma_start3A_158 = arith.constant 0 : i32
        %dma_start3A_159 = tpu.memref_slice %arg3[%dma_start3A_157, %dma_start3A_158] : memref<1024x1024xf32, #tpu.memory_space<hbm>> -> memref<1024x1024xf32, #tpu.memory_space<hbm>>
        tpu.enqueue_indirect_dma source(%dma_start3A_159 : memref<1024x1024xf32, #tpu.memory_space<hbm>>) target(%arg8 : memref<16x1024xf32, #tpu.memory_space<vmem>>) offsets(%dma_start3A_156 : memref<16xi32, #tpu.memory_space<vmem>>) semaphore(%arg12 : memref<!tpu.dma_semaphore, #tpu.memory_space<semaphore_mem>>)
      } else {
      }
      %add3A_137 = arith.constant 3 : i32
      %add3A_138 = arith.addi %mul3A_44, %add3A_137 : i32
      %add3A_139 = arith.constant 4 : i32
      %add3A_140 = arith.addi %add3A_138, %add3A_139 : i32
      %lt3A_141 = arith.constant 400 : i32
      %lt3A_142 = arith.cmpi slt, %add3A_140, %lt3A_141 : i32
      %convert_element_type3A_143 = arith.extui %lt3A_142 : i1 to i32
      %cond3A_144 = arith.constant 0 : i32
      %cond3A_145 = arith.cmpi ne, %convert_element_type3A_143, %cond3A_144 : i32
      scf.if %cond3A_145 {
        %dma_wait3A_146 = arith.constant 0 : i32
        %dma_wait3A_147 = tpu.memref_slice %arg4[%mul3A_2, %dma_wait3A_146] : memref<204800x1024xf32, #tpu.memory_space<hbm>> -> memref<16x1024xf32, #tpu.memory_space<hbm>>
        %dma_wait3A_148 = arith.constant 0 : i32
        %dma_wait3A_149 = tpu.memref_slice %arg4[%mul3A_2, %dma_wait3A_148] : memref<204800x1024xf32, #tpu.memory_space<hbm>> -> memref<16x1024xf32, #tpu.memory_space<hbm>>
        tpu.wait_dma2 semaphore(%arg17 : memref<!tpu.dma_semaphore, #tpu.memory_space<semaphore_mem>>) src(%arg9 : memref<16x1024xf32, #tpu.memory_space<vmem>>) dst(%dma_wait3A_149 : memref<16x1024xf32, #tpu.memory_space<hbm>>)
        %add3A_150 = arith.constant 3 : i32
        %add3A_151 = arith.addi %mul3A_44, %add3A_150 : i32
        %add3A_152 = arith.constant 4 : i32
        %add3A_153 = arith.addi %add3A_151, %add3A_152 : i32
        %mul3A_154 = arith.constant 16 : i32
        %mul3A_155 = arith.muli %add3A_153, %mul3A_154 : i32
        %dma_start3A_156 = tpu.memref_slice %arg5[%mul3A_155] : memref<6400xi32, #tpu.memory_space<vmem>> -> memref<16xi32, #tpu.memory_space<vmem>>
        %dma_start3A_157 = arith.constant 0 : i32
        %dma_start3A_158 = arith.constant 0 : i32
        %dma_start3A_159 = tpu.memref_slice %arg3[%dma_start3A_157, %dma_start3A_158] : memref<1024x1024xf32, #tpu.memory_space<hbm>> -> memref<1024x1024xf32, #tpu.memory_space<hbm>>
        tpu.enqueue_indirect_dma source(%dma_start3A_159 : memref<1024x1024xf32, #tpu.memory_space<hbm>>) target(%arg9 : memref<16x1024xf32, #tpu.memory_space<vmem>>) offsets(%dma_start3A_156 : memref<16xi32, #tpu.memory_space<vmem>>) semaphore(%arg13 : memref<!tpu.dma_semaphore, #tpu.memory_space<semaphore_mem>>)
      } else {
      }
    }
    %scan3A_26 = arith.constant 100 : i32
    %dma_wait3A = arith.constant 0 : i32
    %dma_wait3A_27 = tpu.memref_slice %arg4[%mul3A_2, %dma_wait3A] : memref<204800x1024xf32, #tpu.memory_space<hbm>> -> memref<16x1024xf32, #tpu.memory_space<hbm>>
    %dma_wait3A_28 = arith.constant 0 : i32
    %dma_wait3A_29 = tpu.memref_slice %arg4[%mul3A_2, %dma_wait3A_28] : memref<204800x1024xf32, #tpu.memory_space<hbm>> -> memref<16x1024xf32, #tpu.memory_space<hbm>>
    tpu.wait_dma2 semaphore(%arg14 : memref<!tpu.dma_semaphore, #tpu.memory_space<semaphore_mem>>) src(%arg6 : memref<16x1024xf32, #tpu.memory_space<vmem>>) dst(%dma_wait3A_29 : memref<16x1024xf32, #tpu.memory_space<hbm>>)
    %dma_wait3A_30 = arith.constant 0 : i32
    %dma_wait3A_31 = tpu.memref_slice %arg4[%mul3A_2, %dma_wait3A_30] : memref<204800x1024xf32, #tpu.memory_space<hbm>> -> memref<16x1024xf32, #tpu.memory_space<hbm>>
    %dma_wait3A_32 = arith.constant 0 : i32
    %dma_wait3A_33 = tpu.memref_slice %arg4[%mul3A_2, %dma_wait3A_32] : memref<204800x1024xf32, #tpu.memory_space<hbm>> -> memref<16x1024xf32, #tpu.memory_space<hbm>>
    tpu.wait_dma2 semaphore(%arg15 : memref<!tpu.dma_semaphore, #tpu.memory_space<semaphore_mem>>) src(%arg7 : memref<16x1024xf32, #tpu.memory_space<vmem>>) dst(%dma_wait3A_33 : memref<16x1024xf32, #tpu.memory_space<hbm>>)
    %dma_wait3A_34 = arith.constant 0 : i32
    %dma_wait3A_35 = tpu.memref_slice %arg4[%mul3A_2, %dma_wait3A_34] : memref<204800x1024xf32, #tpu.memory_space<hbm>> -> memref<16x1024xf32, #tpu.memory_space<hbm>>
    %dma_wait3A_36 = arith.constant 0 : i32
    %dma_wait3A_37 = tpu.memref_slice %arg4[%mul3A_2, %dma_wait3A_36] : memref<204800x1024xf32, #tpu.memory_space<hbm>> -> memref<16x1024xf32, #tpu.memory_space<hbm>>
    tpu.wait_dma2 semaphore(%arg16 : memref<!tpu.dma_semaphore, #tpu.memory_space<semaphore_mem>>) src(%arg8 : memref<16x1024xf32, #tpu.memory_space<vmem>>) dst(%dma_wait3A_37 : memref<16x1024xf32, #tpu.memory_space<hbm>>)
    %dma_wait3A_38 = arith.constant 0 : i32
    %dma_wait3A_39 = tpu.memref_slice %arg4[%mul3A_2, %dma_wait3A_38] : memref<204800x1024xf32, #tpu.memory_space<hbm>> -> memref<16x1024xf32, #tpu.memory_space<hbm>>
    %dma_wait3A_40 = arith.constant 0 : i32
    %dma_wait3A_41 = tpu.memref_slice %arg4[%mul3A_2, %dma_wait3A_40] : memref<204800x1024xf32, #tpu.memory_space<hbm>> -> memref<16x1024xf32, #tpu.memory_space<hbm>>
    tpu.wait_dma2 semaphore(%arg17 : memref<!tpu.dma_semaphore, #tpu.memory_space<semaphore_mem>>) src(%arg9 : memref<16x1024xf32, #tpu.memory_space<vmem>>) dst(%dma_wait3A_41 : memref<16x1024xf32, #tpu.memory_space<hbm>>)
    return
  }
}

</mosaic_0001>

<sc_bundles>
// kernel: kernel.3.cloned.1.call-start
scs
__scs_entry_jumppad:
0x0: {  	(pc) =	sbr.rel $0x88, $3  }
0x1: {  	(tag) =	ssettag $0x0;
	lr =	simm.s32 $0x1  }
0x2: {  	[smem:$0x3F9F] =	sst lr;
	_ =	strace $0xD0000000  }
0x3: {  	_ = 	snop  }
0x4: {  	_ = 	snop  }
0x5: {  	_ = 	snop  }
0x6: {  	_ = 	snop  }
0x7: {  	_ = 	snop  }
__scs_overlays_trampoline_lowered:
0x8: {  	[smem:$0x3FAE] =	sst s0  }
0x9: {  	[smem:$0x3FAF] =	sst s1  }
0xa: {  	[smem:$0x3FB0] =	sst s2  }
0xb: {  	[smem:$0x3FB1] =	sst s3  }
0xc: {  	[smem:$0x3FB2] =	sst s4  }
0xd: {  	[smem:$0x3FB3] =	sst s5  }
0xe: {  	[smem:$0x3FB4] =	sst s6  }
0xf: {  	[smem:$0x3FB5] =	sst s7  }
0x10: {  	[smem:$0x3FB6] =	sst s8  }
0x11: {  	[smem:$0x3FB7] =	sst s9;
	s0 =	simm.s32 @!p0 $0x0  }
0x12: {  	s1 =	sld [smem:$0x3F9D];
	s0 =	simm.s32 @p0 $0x1  }
0x13: {  	[smem:$0x3FB8] =	sst s0;
	s0 =	simm.s32 @!p1 $0x0  }
0x14: {  	s2 =	sld [smem:$0x3F9C];
	s0 =	simm.s32 @p1 $0x1  }
0x15: {  	[smem:$0x3FB9] =	sst s0;
	s0 =	simm.s32 @!p2 $0x0  }
0x16: {  	s3 =	sld [smem:$0x3FDB];
	s0 =	simm.s32 @p2 $0x1  }
0x17: {  	s4 =	simm.s32 $0x1BF5;
	[smem:$0x3FBB] =	sst s0  }
0x18: {  	s0 =	sld [smem:$0x3F9E];
	_ =	swait.ge [sflag:s4], $0x0  }
0x19: {  	s7 =	sld [smem:$0x3F9F]  }
0x1a: {  	s8 =	sadd.s32 $0xFFFFE003, lr  }
0x1b: {  	s9 =	sadd.s32 $0xFFFFFEF7, lr;
	s5 =	simm.s32 $0xFFFFFFFF;
	p2 =	slt.u32 s8, $0xFFFFF086  }
0x1c: {  	p1 =	slt.u32 s9, $0xF7A;
	s5 =	simm.s32 @!p2 $0x0  }
0x1d: {  	s5 =	simm.s32 @p1 $0x1;
	p0 =	seq.s32 s7, s2  }
0x1e: {  	s7 =	smul.u32 @!p0 $0xF7A, s2;
	p2 =	seq.s32 @!p0 s5, $0x0  }
0x1f: {  	s9 =	smul.u32 $0xF7A, s1;
	s8 =	simm.s32 @!p0 $0x1BF5;
	p2 =	por !p2, p0  }
0x20: {  	[sflag:s8] =	ssyncset.s32 @!p0 $0xFFFFF086;
	s6 =	sadd.s32 @!p0 s3, s7;
	s7 =	simm.s32 @!p0 $0x108  }
0x21: {  	s3 =	sadd.s32 s3, s9;
	s6 =	sadd.s32 @!p0 $0x88, s6;
	s7 =	simm.s32 @p2 $0x1082  }
0x22: {  	[simem:s7], [sflag:s8] =	dma.local @!p0 [hbm:s6], $0xF7A  }
0x23: {  	s9 =	sor.u32 $0xD0000000, s2;
	s6 =	simm.s32 $0x108;
	_ =	swait.ge @!p0 [sflag:s8], $0x0  }
0x24: {  	s3 =	sadd.s32 $0x88, s3;
	s6 =	simm.s32 @!p1 $0x1082;
	[sflag:s4] =	ssyncset.s32 $0xFFFFF086  }
0x25: {  	[simem:s6], [sflag:s4] =	dma.local [hbm:s3], $0xF7A  }
0x26: {  	[smem:$0x3F9F] =	sst s1;
	(tag) =	ssettag s2;
	_ =	strace s9  }
0x27: {  	s1 =	sld [smem:$0x3FAF]  }
0x28: {  	s2 =	sld [smem:$0x3FB0]  }
0x29: {  	s4 =	sld [smem:$0x3FB2]  }
0x2a: {  	p0 =	seq.s32 s5, $0x0;
	s5 =	sld [smem:$0x3FB3]  }
0x2b: {  	s6 =	sld [smem:$0x3FB4]  }
0x2c: {  	s7 =	sld [smem:$0x3FB5]  }
0x2d: {  	s3 =	simm.s32 $0x108;
	s8 =	sld [smem:$0x3FB6]  }
0x2e: {  	s3 =	simm.s32 @!p0 $0x1082;
	s9 =	sld [smem:$0x3FB7]  }
0x2f: {  	lr =	sadd.s32 s0, s3;
	s0 =	sld [smem:$0x3FAE]  }
0x30: {  	s3 =	sld [smem:$0x3FB1]  }
0x31: {  	[smem:$0x3FBA] =	sst s10  }
0x32: {  	s10 =	sld [smem:$0x3FB8];
	_ =	sdelay $0x3  }
0x33: {  	p0 =	seq.s32 s10, $0x1;
	s10 =	sld [smem:$0x3FBA];
	_ =	sdelay $0x3  }
0x34: {  	[smem:$0x3FBA] =	sst s10  }
0x35: {  	s10 =	sld [smem:$0x3FB9];
	_ =	sdelay $0x3  }
0x36: {  	p1 =	seq.s32 s10, $0x1;
	s10 =	sld [smem:$0x3FBA];
	_ =	sdelay $0x3  }
0x37: {  	[smem:$0x3FBA] =	sst s10  }
0x38: {  	s10 =	sld [smem:$0x3FBB]  }
0x39: {  	_ = 	snop;
	(pc) =	sbr.ind lr, $3  }
0x3a: {  	_ = 	snop  }
0x3b: {  	_ = 	snop  }
0x3c: {  	p2 =	seq.s32 s10, $0x1;
	s10 =	sld [smem:$0x3FBA]  }
0x3d: {  	_ =	shalt  }
0x3e: {  	_ =	shalt  }
0x3f: {  	_ =	shalt  }
0x40: {  	_ =	shalt  }
0x41: {  	_ =	shalt  }
0x42: {  	_ =	shalt  }
0x43: {  	_ =	shalt  }
0x44: {  	_ =	shalt  }
0x45: {  	_ =	shalt  }
0x46: {  	_ =	shalt  }
0x47: {  	_ =	shalt  }
0x48: {  	_ =	shalt  }
0x49: {  	_ =	shalt  }
0x4a: {  	_ =	shalt  }
0x4b: {  	_ =	shalt  }
0x4c: {  	_ =	shalt  }
0x4d: {  	_ =	shalt  }
0x4e: {  	_ =	shalt  }
0x4f: {  	_ =	shalt  }
0x50: {  	_ =	shalt  }
0x51: {  	_ =	shalt  }
0x52: {  	_ =	shalt  }
0x53: {  	_ =	shalt  }
0x54: {  	_ =	shalt  }
0x55: {  	_ =	shalt  }
0x56: {  	_ =	shalt  }
0x57: {  	_ =	shalt  }
0x58: {  	_ =	shalt  }
0x59: {  	_ =	shalt  }
0x5a: {  	_ =	shalt  }
0x5b: {  	_ =	shalt  }
0x5c: {  	_ =	shalt  }
0x5d: {  	_ =	shalt  }
0x5e: {  	_ =	shalt  }
0x5f: {  	_ =	shalt  }
0x60: {  	_ =	shalt  }
0x61: {  	_ =	shalt  }
0x62: {  	_ =	shalt  }
0x63: {  	_ =	shalt  }
0x64: {  	_ =	shalt  }
0x65: {  	_ =	shalt  }
0x66: {  	_ =	shalt  }
0x67: {  	_ =	shalt  }
0x68: {  	_ =	shalt  }
0x69: {  	_ =	shalt  }
0x6a: {  	_ =	shalt  }
0x6b: {  	_ =	shalt  }
0x6c: {  	_ =	shalt  }
0x6d: {  	_ =	shalt  }
0x6e: {  	_ =	shalt  }
0x6f: {  	_ =	shalt  }
0x70: {  	_ =	shalt  }
0x71: {  	_ =	shalt  }
0x72: {  	_ =	shalt  }
0x73: {  	_ =	shalt  }
0x74: {  	_ =	shalt  }
0x75: {  	_ =	shalt  }
0x76: {  	_ =	shalt  }
0x77: {  	_ =	shalt  }
0x78: {  	_ =	shalt  }
0x79: {  	_ =	shalt  }
0x7a: {  	_ =	shalt  }
0x7b: {  	_ =	shalt  }
0x7c: {  	_ =	shalt  }
0x7d: {  	_ =	shalt  }
0x7e: {  	_ =	shalt  }
0x7f: {  	_ =	shalt  }
0x80: {  	_ =	shalt  }
0x81: {  	_ =	shalt  }
0x82: {  	_ =	shalt  }
0x83: {  	_ =	shalt  }
0x84: {  	_ =	shalt  }
0x85: {  	_ =	shalt  }
0x86: {  	_ =	shalt  }
0x87: {  	_ =	shalt  }
.Lfunc_end0:
.L_simem_size_0:
called_computation.1_lowered:
.L_overlay_start_0:
0x88: {  	s2 =	sld [smem:$0x3FD9]  }
0x89: {  	s3 =	sld [smem:$0x3FFE];
	_ =	sdelay $0x1  }
0x8a: {  	s1 =	srdreg.scid  }
0x8b: {  	s0 =	sand.u32 $0x1, s1  }
0x8c: {  	s17 =	sshll.u32 s0, $0xA;
	s2 =	sadd.s32 s3, s2  }
0x8d: {  	s2 =	sadd.s32 s2, s17  }
0x8e: {  	[smem:$0x3FC6] =	sst s2  }
0x8f: {  	_ = 	snop  }
0x90: {  	s2 =	sld [smem:$0x3FC8]  }
0x91: {  	s18 =	sld [smem:$0x3FD0];
	(tm) =	ssettm $0x1  }
0x92: {  	s4 =	sld [smem:$0x3FFB];
	_ =	sdelay $0x3  }
0x93: {  	_ =	strace s4  }
0x94: {  	s4 =	sld [smem:$0x3FFC];
	_ =	sdelay $0x3  }
0x95: {  	_ =	strace s4  }
0x96: {  	s4 =	sld [smem:$0x3FFD];
	_ =	sdelay $0x3  }
0x97: {  	_ =	strace s4  }
0x98: {  	_ =	strace $0x8FFFFFFF  }
0x99: {  	s19 =	sld [smem:$0x3FDB];
	_ =	sdelay $0x1  }
0x9a: {  	s5 =	simm.s32 $_scs_section_size  }
0x9b: {  	s6 =	simm.s32 $_size__tile_overlayer_lowered;
	s7 =	simm.s32 $_tile_overlayer_lowered  }
0x9c: {  	s22 =	simm.s32 $0x1BFF;
	s21 =	sshll.u32 s7, $0x1;
	s4 =	sadd.s32 s5, s19  }
0x9d: {  	s8 =	simm.s32 $0x0;
	s20 =	sshll.u32 s6, $0x1;
	s6 =	sadd.s32 s21, s4  }
0x9e: {  	[timem:s8], [sflag:s22] =	dma.local [hbm:s6], s20  }
0x9f: {  	_ =	swait.ge [sflag:s22], s20  }
0xa0: {  	s5 =	ssub.s32 $0x0, s20;
	[sflag:s22] =	ssyncset.done $0x0  }
0xa1: {  	[sflag:s22] =	ssyncadd.s32 s5;
	_ =	sdelay $0x1  }
0xa2: {  	s23 =	simm.s32 $0x1B8B  }
0xa3: {  	_ =	swait.ge [sflag:s23], $0x1  }
0xa4: {  	[sflag:s23] =	ssyncset.done $0x0  }
0xa5: {  	s25 =	simm.s32 $0x1B8E;
	s24 =	sld [smem:$0x3FFE];
	[sflag:s23] =	ssyncadd.s32 $0xFFFFFFFF  }
0xa6: {  	s26 =	simm.s32 $execute0_lowered;
	[smem:$0x3FD2] =	sst s25  }
0xa7: {  	s6 =	sshll.u32 s26, $0x1;
	_ =	strace $0x80000046;
	[dreg:$0x1] =	wrdreg $0xFFFFFFFF  }
0xa8: {  	s28 =	simm.s32 $_size_execute0_lowered;
	s4 =	sadd.s32 s4, s6;
	[dreg:$0x0] =	wrdreg $0x0  }
0xa9: {  	s6 =	sshll.u32 s28, $0x1;
	[dreg:$0x2] =	wrdreg s4  }
0xaa: {  	[dreg:$0x3] =	wrdreg s6  }
0xab: {  	[dreg:$0x4] =	wrdreg $0xC0  }
0xac: {  	_ =	task [dreg:s8], $0x5FFFF  }
0xad: {  	[dreg:$0x1] =	wrdreg $0xFFFFFFFF  }
0xae: {  	[dreg:$0x0] =	wrdreg $0x60  }
0xaf: {  	[dreg:$0x2] =	wrdreg s24  }
0xb0: {  	[dreg:$0x3] =	wrdreg s2  }
0xb1: {  	[dreg:$0x4] =	wrdreg s18  }
0xb2: {  	[dreg:$0x5] =	wrdreg $0x9  }
0xb3: {  	_ =	task.clear_ibuf [dreg:s8], $0x6FFFF;
	_ =	strace $0x90000046  }
0xb4: {  	s29 =	simm.s32 $0x9;
	_ =	strace $0x80000048  }
0xb5: {  	_ =	swait.ge [sflag:s29], $0x1  }
0xb6: {  	[sflag:s29] =	ssyncadd.s32 $0xFFFFFFFF  }
0xb7: {  	_ =	strace $0x90000048  }
0xb8: {  	_ =	sfence  }
0xb9: {  	s30 =	sld [smem:$0x0];
	_ =	sdelay $0x2  }
0xba: {  	s31 =	sshll.u32 s1, $0xD;
	s1 =	sshrl.u32 s1, $0x2  }
0xbb: {  	s3 =	sand.u32 $0x4000, s31;
	s1 =	sadd.s32 s1, s30  }
0xbc: {  	s0 =	sor.u32 s3, s0;
	s1 =	sshll.u32 s1, $0x11  }
0xbd: {  	s0 =	sor.u32 s1, s0  }
0xbe: {  	s0 =	sadd.s32 $0x8F2B, s0  }
0xbf: {  	[sflag:s0] =	ssyncadd.remote.s32 $0x1  }
0xc0: {  	_ =	sfence.sel $0xFFFF  }
0xc1: {  	[dreg:$0x0] =	wrdreg $0xFFFFFFFF;
	(pc) =	sbr.abs _section_cstart, $3  }
0xc2: {  	[dreg:$0x1] =	wrdreg $0xFFFFFFFF  }
0xc3: {  	_ =	task.clear_ibuf [dreg:s8], $0x2FFFF;
	_ =	strace $0x9FFFFFFF  }
0xc4: {  	(tm) =	ssettm $0x7FFFFFFF  }
0xc5: {  	_ =	shalt  }
tec
execute0_lowered:
.L_overlay_start_1:
0x0: {  	(tag) =	ssettag $0x1  }
0x1: {  	s0 =	rddreg [dreg:$0x0]  }
0x2: {  	s2 =	rddreg [dreg:$0x1]  }
0x3: {  	s1 =	rddreg [dreg:$0x2]  }
0x4: {  	s3 =	srdreg.scid;
	s9 =	stileid.u32  }
0x5: {  	s14 =	simm.s32 $0x1900;
	s22 =	simm.s32 $0x5900;
	s31 =	simm.s32 $0x9900  }
0x6: {  	s13 =	simm.s32 $0xD100;
	s15 =	simm.s32 $0xD900;
	s16 =	simm.s32 $0xE100  }
0x7: {  	s17 =	simm.s32 $0xE900;
	s18 =	simm.s32 $0xF100;
	s19 =	simm.s32 $0xF900  }
0x8: {  	s20 =	simm.s32 $0x10100;
	s21 =	simm.s32 $0x10900;
	s28 =	simm.s32 $0x4  }
0x9: {  	s29 =	simm.s32 $0x5;
	s30 =	simm.s32 $0x6;
	s8 =	smul.u32 $0x190000, s9  }
0xa: {  	s5 =	sshrl.u32 s9, $0x2;
	s6 =	sshll.u32 s9, $0x8;
	s9 =	smul.u32 $0xC80000, s9  }
0xb: {  	s4 =	sand.u32 $0x1, s3;
	s3 =	simm.s32 $0x0;
	s5 =	smul.u32 $0xC800, s5  }
0xc: {  	s7 =	sshll.u32 s4, $0x7;
	[smem:$0x7FF] =	sst s3;
	s25 =	smul.u32 $0x640000, s4  }
0xd: {  	s23 =	ssub.s32 $0x2, s4;
	s4 =	smul.u32 $0xC8000, s4;
	s6 =	sor.u32 s7, s6  }
0xe: {  	_ =	strace $0x80000047;
	s24 =	sshrl.u32 s23, $0x1;
	s7 =	sadd.s32 $0x300, s2  }
0xf: {  	s8 =	sadd.s32 s8, s1;
	s6 =	sand.u32 $0x380, s6;
	s10 =	ssub.s32 s23, s24  }
0x10: {  	s23 =	simm.s32 $0x11100;
	s24 =	simm.s32 $0x1;
	s5 =	sor.u32 s5, s6  }
0x11: {  	s6 =	sadd.s32 $0x200, s2;
	s26 =	smax.u32 s10, $0x1;
	s5 =	sshrl.u32 s5, $0x3  }
.Ltmp0:
0x12: {  	[dreg:$0x5] =	wrdreg s26;
	s0 =	sadd.s32 s5, s0;
	(pc) =	sbr.rel .LBB2_1-.Ltmp0, $4  }
0x13: {  	s26 =	simm.s32 $0x3;
	s5 =	sadd.s32 $0x100, s2;
	s0 =	sadd.s32 $0x800, s0  }
0x14: {  	v2 =	vlaneseq.u32;
	[dreg:$0x4] =	wrdreg s0;
	s0 =	sadd.s32 s25, s9;
	s9 =	sadd.s32 s4, s8  }
0x15: {  	vm0 =	vmmov $0xffff;
	v1 =	vshrl.u32 v2, $0x3;
	s25 =	simm.s32 $0x2;
	s8 =	simm.s32 $0x0;
	s0 =	sshrl.u32 s0, $0x3  }
0x16: {  	v0 =	vand.u32 $0x7, v2;
	v2 =	vor.u32 $0x8, v2;
	v1 =	vmul.u32 $0x8, v1;
	s10 =	sadd.s32 s0, s1;
	s0 =	simm.s32 $0x7;
	s1 =	simm.s32 $0x8  }
.LBB2_4:
0x17: {  	_ =	swait.ge [sflag:s29], $0x4000  }
0x18: {  	[sflag:s29] =	ssyncset.done $0x0  }
0x19: {  	[sflag:s29] =	ssyncadd.s32 $0xFFFFC000  }
0x1a: {  	_ =	swait.ge [sflag:s30], $0x4000  }
0x1b: {  	[sflag:s30] =	ssyncset.done $0x0  }
0x1c: {  	[sflag:s30] =	ssyncadd.s32 $0xFFFFC000  }
0x1d: {  	_ =	swait.ge [sflag:s0], $0x4000  }
0x1e: {  	[sflag:s0] =	ssyncset.done $0x0  }
0x1f: {  	[sflag:s0] =	ssyncadd.s32 $0xFFFFC000  }
0x20: {  	_ =	swait.ge [sflag:s1], $0x4000  }
0x21: {  	s8 =	rddreg [dreg:$0x6]  }
0x22: {  	s4 =	rddreg [dreg:$0x5];
	s8 =	sadd.s32 $0x1, s8  }
0x23: {  	p0 =	sne.s32 s8, s4  }
.Ltmp1:
0x24: {  	_ = 	snop;
	(pc) =	sbr.rel @!p0 .LBB2_5-.Ltmp1, $3  }
0x25: {  	_ =	sdelay $0x1  }
0x26: {  	[sflag:s1] =	ssyncset.done $0x0  }
0x27: {  	[sflag:s1] =	ssyncadd.s32 $0xFFFFC000  }
.LBB2_1:
0x28: {  	[dreg:$0x6] =	wrdreg s8  }
0x29: {  	s4 =	rddreg [dreg:$0x4]  }
0x2a: {  	s12 =	simm.s32 $0x80;
	s11 =	simm.s32 $0x400;
	s8 =	simm.s32 $0x9  }
0x2b: {  	[tilespmem:s3], [sflag:$0x9] =	stream.strided.gather [hbm4b:s4+s12], $0x1900, s11, s12, $0x38;
	[tilespmem:$0x11900] =	vst v63  }
0x2c: {  	_ =	swait.ge [sflag:s8], $0x1900  }
0x2d: {  	[sflag:s8] =	ssyncset.done $0x0  }
0x2e: {  	[sflag:s8] =	ssyncadd.s32 $0xFFFFE700  }
0x2f: {  	v3 =	vld [tilespmem:$0x0];
	_ =	sdelay $0x4  }
0x30: {  	v4 =	vshll.u32 v3, $0x3  }
0x31: {  	v3 =	vand.u32 $0x7, v3;
	v4 =	vand.u32 $0xFFFFFFC0, v4  }
0x32: {  	v3 =	vor.u32 v3, v4  }
0x33: {  	v4 =	vperm.xlane v3, v0;
	_ =	sdelay $0x1  }
0x34: {  	v4 =	vadd.s32 v1, v4;
	_ =	sdelay $0x4  }
0x35: {  	[tilespmem:s14], [sflag:$0x1] =	stream.indirect_vreg.gather [hbm4b:s2+s3], $0x80, v4, vm0, $0xb8;
	[tilespmem:$0x11900] =	vst v63  }
0x36: {  	s11 =	simm.s32 $0x2100;
	v3 =	vperm.xlane v3, v2  }
0x37: {  	[tilespmem:s11], [sflag:$0x1] =	stream.indirect_vreg.gather [hbm4b:s5+s3], $0x80, v4, vm0, $0xb8;
	[tilespmem:$0x11900] =	vst v63  }
0x38: {  	s12 =	simm.s32 $0x2900;
	v3 =	vadd.s32 v1, v3  }
0x39: {  	[tilespmem:s12], [sflag:$0x1] =	stream.indirect_vreg.gather [hbm4b:s6+s3], $0x80, v4, vm0, $0xb8;
	[tilespmem:$0x11900] =	vst v63  }
0x3a: {  	s8 =	simm.s32 $0x3100  }
0x3b: {  	[tilespmem:s8], [sflag:$0x1] =	stream.indirect_vreg.gather [hbm4b:s7+s3], $0x80, v4, vm0, $0xb8;
	[tilespmem:$0x11900] =	vst v63  }
0x3c: {  	s11 =	simm.s32 $0x3900  }
0x3d: {  	[tilespmem:s11], [sflag:$0x1] =	stream.indirect_vreg.gather [hbm4b:s2+s3], $0x80, v3, vm0, $0xb8;
	[tilespmem:$0x11900] =	vst v63  }
0x3e: {  	s12 =	simm.s32 $0x4100  }
0x3f: {  	[tilespmem:s12], [sflag:$0x1] =	stream.indirect_vreg.gather [hbm4b:s5+s3], $0x80, v3, vm0, $0xb8;
	[tilespmem:$0x11900] =	vst v63  }
0x40: {  	s8 =	simm.s32 $0x4900  }
0x41: {  	[tilespmem:s8], [sflag:$0x1] =	stream.indirect_vreg.gather [hbm4b:s6+s3], $0x80, v3, vm0, $0xb8;
	[tilespmem:$0x11900] =	vst v63  }
0x42: {  	s11 =	simm.s32 $0x5100  }
0x43: {  	[tilespmem:s11], [sflag:$0x1] =	stream.indirect_vreg.gather [hbm4b:s7+s3], $0x80, v3, vm0, $0xb8;
	[tilespmem:$0x11900] =	vst v63  }
0x44: {  	v3 =	vld [tilespmem:$0x10];
	_ =	sdelay $0x4  }
0x45: {  	v61 =	vshll.u32 v3, $0x3  }
0x46: {  	v3 =	vand.u32 $0x7, v3;
	v4 =	vand.u32 $0xFFFFFFC0, v61  }
0x47: {  	v3 =	vor.u32 v3, v4  }
0x48: {  	v4 =	vperm.xlane v3, v0;
	_ =	sdelay $0x1  }
0x49: {  	v4 =	vadd.s32 v1, v4;
	_ =	sdelay $0x4  }
0x4a: {  	[tilespmem:s22], [sflag:$0x2] =	stream.indirect_vreg.gather [hbm4b:s2+s3], $0x80, v4, vm0, $0xb8;
	[tilespmem:$0x11900] =	vst v63  }
0x4b: {  	s12 =	simm.s32 $0x6100;
	v3 =	vperm.xlane v3, v2  }
0x4c: {  	[tilespmem:s12], [sflag:$0x2] =	stream.indirect_vreg.gather [hbm4b:s5+s3], $0x80, v4, vm0, $0xb8;
	[tilespmem:$0x11900] =	vst v63  }
0x4d: {  	s8 =	simm.s32 $0x6900;
	v3 =	vadd.s32 v1, v3  }
0x4e: {  	[tilespmem:s8], [sflag:$0x2] =	stream.indirect_vreg.gather [hbm4b:s6+s3], $0x80, v4, vm0, $0xb8;
	[tilespmem:$0x11900] =	vst v63  }
0x4f: {  	s11 =	simm.s32 $0x7100  }
0x50: {  	[tilespmem:s11], [sflag:$0x2] =	stream.indirect_vreg.gather [hbm4b:s7+s3], $0x80, v4, vm0, $0xb8;
	[tilespmem:$0x11900] =	vst v63  }
0x51: {  	s12 =	simm.s32 $0x7900  }
0x52: {  	[tilespmem:s12], [sflag:$0x2] =	stream.indirect_vreg.gather [hbm4b:s2+s3], $0x80, v3, vm0, $0xb8;
	[tilespmem:$0x11900] =	vst v63  }
0x53: {  	s8 =	simm.s32 $0x8100  }
0x54: {  	[tilespmem:s8], [sflag:$0x2] =	stream.indirect_vreg.gather [hbm4b:s5+s3], $0x80, v3, vm0, $0xb8;
	[tilespmem:$0x11900] =	vst v63  }
0x55: {  	s11 =	simm.s32 $0x8900  }
0x56: {  	[tilespmem:s11], [sflag:$0x2] =	stream.indirect_vreg.gather [hbm4b:s6+s3], $0x80, v3, vm0, $0xb8;
	[tilespmem:$0x11900] =	vst v63  }
0x57: {  	s12 =	simm.s32 $0x9100  }
0x58: {  	[tilespmem:s12], [sflag:$0x2] =	stream.indirect_vreg.gather [hbm4b:s7+s3], $0x80, v3, vm0, $0xb8;
	[tilespmem:$0x11900] =	vst v63  }
0x59: {  	v3 =	vld [tilespmem:$0x20];
	_ =	sdelay $0x4  }
0x5a: {  	v62 =	vshll.u32 v3, $0x3  }
0x5b: {  	v3 =	vand.u32 $0x7, v3;
	v4 =	vand.u32 $0xFFFFFFC0, v62  }
0x5c: {  	v3 =	vor.u32 v3, v4  }
0x5d: {  	v4 =	vperm.xlane v3, v0;
	_ =	sdelay $0x1  }
0x5e: {  	v4 =	vadd.s32 v1, v4;
	_ =	sdelay $0x4  }
0x5f: {  	[tilespmem:s31], [sflag:$0x3] =	stream.indirect_vreg.gather [hbm4b:s2+s3], $0x80, v4, vm0, $0xb8;
	[tilespmem:$0x11900] =	vst v63  }
0x60: {  	s8 =	simm.s32 $0xA100;
	v3 =	vperm.xlane v3, v2  }
0x61: {  	[tilespmem:s8], [sflag:$0x3] =	stream.indirect_vreg.gather [hbm4b:s5+s3], $0x80, v4, vm0, $0xb8;
	[tilespmem:$0x11900] =	vst v63  }
0x62: {  	s11 =	simm.s32 $0xA900;
	v3 =	vadd.s32 v1, v3  }
0x63: {  	[tilespmem:s11], [sflag:$0x3] =	stream.indirect_vreg.gather [hbm4b:s6+s3], $0x80, v4, vm0, $0xb8;
	[tilespmem:$0x11900] =	vst v63  }
0x64: {  	s12 =	simm.s32 $0xB100  }
0x65: {  	[tilespmem:s12], [sflag:$0x3] =	stream.indirect_vreg.gather [hbm4b:s7+s3], $0x80, v4, vm0, $0xb8;
	[tilespmem:$0x11900] =	vst v63  }
0x66: {  	s8 =	simm.s32 $0xB900  }
0x67: {  	[tilespmem:s8], [sflag:$0x3] =	stream.indirect_vreg.gather [hbm4b:s2+s3], $0x80, v3, vm0, $0xb8;
	[tilespmem:$0x11900] =	vst v63  }
0x68: {  	s11 =	simm.s32 $0xC100  }
0x69: {  	[tilespmem:s11], [sflag:$0x3] =	stream.indirect_vreg.gather [hbm4b:s5+s3], $0x80, v3, vm0, $0xb8;
	[tilespmem:$0x11900] =	vst v63  }
0x6a: {  	s12 =	simm.s32 $0xC900  }
0x6b: {  	[tilespmem:s12], [sflag:$0x3] =	stream.indirect_vreg.gather [hbm4b:s6+s3], $0x80, v3, vm0, $0xb8;
	[tilespmem:$0x11900] =	vst v63  }
0x6c: {  	_ = 	snop  }
0x6d: {  	[tilespmem:s13], [sflag:$0x3] =	stream.indirect_vreg.gather [hbm4b:s7+s3], $0x80, v3, vm0, $0xb8;
	[tilespmem:$0x11900] =	vst v63  }
0x6e: {  	v3 =	vld [tilespmem:$0x30];
	_ =	sdelay $0x4  }
0x6f: {  	v63 =	vshll.u32 v3, $0x3  }
0x70: {  	v3 =	vand.u32 $0x7, v3;
	v4 =	vand.u32 $0xFFFFFFC0, v63  }
0x71: {  	v3 =	vor.u32 v3, v4  }
0x72: {  	v4 =	vperm.xlane v3, v0;
	_ =	sdelay $0x1  }
0x73: {  	v4 =	vadd.s32 v1, v4;
	_ =	sdelay $0x4  }
0x74: {  	[tilespmem:s15], [sflag:$0x4] =	stream.indirect_vreg.gather [hbm4b:s2+s3], $0x80, v4, vm0, $0xb8;
	[tilespmem:$0x11900] =	vst v63  }
0x75: {  	v3 =	vperm.xlane v3, v2  }
0x76: {  	[tilespmem:s16], [sflag:$0x4] =	stream.indirect_vreg.gather [hbm4b:s5+s3], $0x80, v4, vm0, $0xb8;
	[tilespmem:$0x11900] =	vst v63  }
0x77: {  	v3 =	vadd.s32 v1, v3  }
0x78: {  	[tilespmem:s17], [sflag:$0x4] =	stream.indirect_vreg.gather [hbm4b:s6+s3], $0x80, v4, vm0, $0xb8;
	[tilespmem:$0x11900] =	vst v63  }
0x79: {  	_ = 	snop  }
0x7a: {  	[tilespmem:s18], [sflag:$0x4] =	stream.indirect_vreg.gather [hbm4b:s7+s3], $0x80, v4, vm0, $0xb8;
	[tilespmem:$0x11900] =	vst v63  }
0x7b: {  	_ = 	snop  }
0x7c: {  	[tilespmem:s19], [sflag:$0x4] =	stream.indirect_vreg.gather [hbm4b:s2+s3], $0x80, v3, vm0, $0xb8;
	[tilespmem:$0x11900] =	vst v63  }
0x7d: {  	_ = 	snop  }
0x7e: {  	[tilespmem:s20], [sflag:$0x4] =	stream.indirect_vreg.gather [hbm4b:s5+s3], $0x80, v3, vm0, $0xb8;
	[tilespmem:$0x11900] =	vst v63  }
0x7f: {  	_ = 	snop  }
0x80: {  	[tilespmem:s21], [sflag:$0x4] =	stream.indirect_vreg.gather [hbm4b:s6+s3], $0x80, v3, vm0, $0xb8;
	[tilespmem:$0x11900] =	vst v63  }
0x81: {  	s11 =	simm.s32 $0x70;
	s12 =	simm.s32 $0x0  }
0x82: {  	[tilespmem:s23], [sflag:$0x4] =	stream.indirect_vreg.gather [hbm4b:s7+s3], $0x80, v3, vm0, $0xb8;
	[tilespmem:$0x11900] =	vst v63  }
.LBB2_2:
0x83: {  	_ =	swait.ge [sflag:s24], $0x4000  }
0x84: {  	[sflag:s24] =	ssyncset.done $0x0  }
0x85: {  	s4 =	sadd.s32 s12, s10;
	[sflag:s24] =	ssyncadd.s32 $0xFFFFC000  }
0x86: {  	[hbm4b:s4+s3] =	stream.linear.scatter [tilespmem:s14], [sflag:$0x5], $0x4000, $0x38;
	[tilespmem:$0x11900] =	vst v63  }
0x87: {  	_ =	swait.ge [sflag:s25], $0x4000  }
0x88: {  	s4 =	sadd.s32 s12, s9;
	[sflag:s25] =	ssyncset.done $0x0  }
0x89: {  	s8 =	sadd.s32 $0x800, s4;
	[sflag:s25] =	ssyncadd.s32 $0xFFFFC000  }
0x8a: {  	[hbm4b:s8+s3] =	stream.linear.scatter [tilespmem:s22], [sflag:$0x6], $0x4000, $0x38;
	[tilespmem:$0x11900] =	vst v63  }
0x8b: {  	_ =	swait.ge [sflag:s26], $0x4000  }
0x8c: {  	[sflag:s26] =	ssyncset.done $0x0  }
0x8d: {  	p0 =	seq.s32 s12, $0xC6000;
	s8 =	sadd.s32 $0x1000, s4;
	[sflag:s26] =	ssyncadd.s32 $0xFFFFC000  }
0x8e: {  	[hbm4b:s8+s3] =	stream.linear.scatter [tilespmem:s31], [sflag:$0x7], $0x4000, $0x38;
	[tilespmem:$0x11900] =	vst v63  }
.Ltmp2:
0x8f: {  	_ = 	snop;
	(pc) =	sbr.rel @p0 .LBB2_4-.Ltmp2, $4  }
0x90: {  	_ =	swait.ge [sflag:s28], $0x4000  }
0x91: {  	[sflag:s28] =	ssyncset.done $0x0  }
0x92: {  	s4 =	sadd.s32 $0x1800, s4;
	[sflag:s28] =	ssyncadd.s32 $0xFFFFC000  }
0x93: {  	[hbm4b:s4+s3] =	stream.linear.scatter [tilespmem:s15], [sflag:$0x8], $0x4000, $0x38;
	[tilespmem:$0x11900] =	vst v63  }
0x94: {  	_ =	swait.ge [sflag:s29], $0x4000  }
0x95: {  	[sflag:s29] =	ssyncset.done $0x0  }
0x96: {  	[sflag:s29] =	ssyncadd.s32 $0xFFFFC000  }
0x97: {  	v3 =	vld [tilespmem:s11+$0xFFFFFFD0];
	_ =	sdelay $0x4  }
0x98: {  	v4 =	vshll.u32 v3, $0x3  }
0x99: {  	v3 =	vand.u32 $0x7, v3;
	v4 =	vand.u32 $0xFFFFFFC0, v4  }
0x9a: {  	v3 =	vor.u32 v3, v4  }
0x9b: {  	v4 =	vperm.xlane v3, v0;
	_ =	sdelay $0x1  }
0x9c: {  	v4 =	vadd.s32 v1, v4;
	_ =	sdelay $0x4  }
0x9d: {  	[tilespmem:s14], [sflag:$0x1] =	stream.indirect_vreg.gather [hbm4b:s2+s3], $0x80, v4, vm0, $0xb8;
	[tilespmem:$0x11900] =	vst v63  }
0x9e: {  	s4 =	simm.s32 $0x2100;
	v3 =	vperm.xlane v3, v2  }
0x9f: {  	[tilespmem:s4], [sflag:$0x1] =	stream.indirect_vreg.gather [hbm4b:s5+s3], $0x80, v4, vm0, $0xb8;
	[tilespmem:$0x11900] =	vst v63  }
0xa0: {  	s8 =	simm.s32 $0x2900;
	v3 =	vadd.s32 v1, v3  }
0xa1: {  	[tilespmem:s8], [sflag:$0x1] =	stream.indirect_vreg.gather [hbm4b:s6+s3], $0x80, v4, vm0, $0xb8;
	[tilespmem:$0x11900] =	vst v63  }
0xa2: {  	s8 =	simm.s32 $0x3100  }
0xa3: {  	[tilespmem:s8], [sflag:$0x1] =	stream.indirect_vreg.gather [hbm4b:s7+s3], $0x80, v4, vm0, $0xb8;
	[tilespmem:$0x11900] =	vst v63  }
0xa4: {  	s8 =	simm.s32 $0x3900  }
0xa5: {  	[tilespmem:s8], [sflag:$0x1] =	stream.indirect_vreg.gather [hbm4b:s2+s3], $0x80, v3, vm0, $0xb8;
	[tilespmem:$0x11900] =	vst v63  }
0xa6: {  	s8 =	simm.s32 $0x4100  }
0xa7: {  	[tilespmem:s8], [sflag:$0x1] =	stream.indirect_vreg.gather [hbm4b:s5+s3], $0x80, v3, vm0, $0xb8;
	[tilespmem:$0x11900] =	vst v63  }
0xa8: {  	s8 =	simm.s32 $0x4900  }
0xa9: {  	[tilespmem:s8], [sflag:$0x1] =	stream.indirect_vreg.gather [hbm4b:s6+s3], $0x80, v3, vm0, $0xb8;
	[tilespmem:$0x11900] =	vst v63  }
0xaa: {  	s8 =	simm.s32 $0x5100  }
0xab: {  	[tilespmem:s8], [sflag:$0x1] =	stream.indirect_vreg.gather [hbm4b:s7+s3], $0x80, v3, vm0, $0xb8;
	[tilespmem:$0x11900] =	vst v63  }
0xac: {  	_ =	swait.ge [sflag:s30], $0x4000  }
0xad: {  	[sflag:s30] =	ssyncset.done $0x0  }
0xae: {  	[sflag:s30] =	ssyncadd.s32 $0xFFFFC000  }
0xaf: {  	v3 =	vld [tilespmem:s11+$0xFFFFFFE0];
	_ =	sdelay $0x4  }
0xb0: {  	v61 =	vshll.u32 v3, $0x3  }
0xb1: {  	v3 =	vand.u32 $0x7, v3;
	v4 =	vand.u32 $0xFFFFFFC0, v61  }
0xb2: {  	v3 =	vor.u32 v3, v4  }
0xb3: {  	v4 =	vperm.xlane v3, v0;
	_ =	sdelay $0x1  }
0xb4: {  	v4 =	vadd.s32 v1, v4;
	_ =	sdelay $0x4  }
0xb5: {  	[tilespmem:s22], [sflag:$0x2] =	stream.indirect_vreg.gather [hbm4b:s2+s3], $0x80, v4, vm0, $0xb8;
	[tilespmem:$0x11900] =	vst v63  }
0xb6: {  	s8 =	simm.s32 $0x6100;
	v3 =	vperm.xlane v3, v2  }
0xb7: {  	[tilespmem:s8], [sflag:$0x2] =	stream.indirect_vreg.gather [hbm4b:s5+s3], $0x80, v4, vm0, $0xb8;
	[tilespmem:$0x11900] =	vst v63  }
0xb8: {  	v3 =	vadd.s32 v1, v3;
	s8 =	simm.s32 $0x6900  }
0xb9: {  	[tilespmem:s8], [sflag:$0x2] =	stream.indirect_vreg.gather [hbm4b:s6+s3], $0x80, v4, vm0, $0xb8;
	[tilespmem:$0x11900] =	vst v63  }
0xba: {  	s8 =	simm.s32 $0x7100  }
0xbb: {  	[tilespmem:s8], [sflag:$0x2] =	stream.indirect_vreg.gather [hbm4b:s7+s3], $0x80, v4, vm0, $0xb8;
	[tilespmem:$0x11900] =	vst v63  }
0xbc: {  	s8 =	simm.s32 $0x7900  }
0xbd: {  	[tilespmem:s8], [sflag:$0x2] =	stream.indirect_vreg.gather [hbm4b:s2+s3], $0x80, v3, vm0, $0xb8;
	[tilespmem:$0x11900] =	vst v63  }
0xbe: {  	s8 =	simm.s32 $0x8100  }
0xbf: {  	[tilespmem:s8], [sflag:$0x2] =	stream.indirect_vreg.gather [hbm4b:s5+s3], $0x80, v3, vm0, $0xb8;
	[tilespmem:$0x11900] =	vst v63  }
0xc0: {  	s8 =	simm.s32 $0x8900  }
0xc1: {  	[tilespmem:s8], [sflag:$0x2] =	stream.indirect_vreg.gather [hbm4b:s6+s3], $0x80, v3, vm0, $0xb8;
	[tilespmem:$0x11900] =	vst v63  }
0xc2: {  	s8 =	simm.s32 $0x9100  }
0xc3: {  	[tilespmem:s8], [sflag:$0x2] =	stream.indirect_vreg.gather [hbm4b:s7+s3], $0x80, v3, vm0, $0xb8;
	[tilespmem:$0x11900] =	vst v63  }
0xc4: {  	_ =	swait.ge [sflag:s0], $0x4000  }
0xc5: {  	[sflag:s0] =	ssyncset.done $0x0  }
0xc6: {  	[sflag:s0] =	ssyncadd.s32 $0xFFFFC000  }
0xc7: {  	v3 =	vld [tilespmem:s11+$0xFFFFFFF0];
	_ =	sdelay $0x4  }
0xc8: {  	v62 =	vshll.u32 v3, $0x3  }
0xc9: {  	v3 =	vand.u32 $0x7, v3;
	v4 =	vand.u32 $0xFFFFFFC0, v62  }
0xca: {  	v3 =	vor.u32 v3, v4  }
0xcb: {  	v4 =	vperm.xlane v3, v0;
	_ =	sdelay $0x1  }
0xcc: {  	v4 =	vadd.s32 v1, v4;
	_ =	sdelay $0x4  }
0xcd: {  	[tilespmem:s31], [sflag:$0x3] =	stream.indirect_vreg.gather [hbm4b:s2+s3], $0x80, v4, vm0, $0xb8;
	[tilespmem:$0x11900] =	vst v63  }
0xce: {  	s8 =	simm.s32 $0xA100;
	v3 =	vperm.xlane v3, v2  }
0xcf: {  	[tilespmem:s8], [sflag:$0x3] =	stream.indirect_vreg.gather [hbm4b:s5+s3], $0x80, v4, vm0, $0xb8;
	[tilespmem:$0x11900] =	vst v63  }
0xd0: {  	v3 =	vadd.s32 v1, v3;
	s8 =	simm.s32 $0xA900  }
0xd1: {  	[tilespmem:s8], [sflag:$0x3] =	stream.indirect_vreg.gather [hbm4b:s6+s3], $0x80, v4, vm0, $0xb8;
	[tilespmem:$0x11900] =	vst v63  }
0xd2: {  	s8 =	simm.s32 $0xB100  }
0xd3: {  	[tilespmem:s8], [sflag:$0x3] =	stream.indirect_vreg.gather [hbm4b:s7+s3], $0x80, v4, vm0, $0xb8;
	[tilespmem:$0x11900] =	vst v63  }
0xd4: {  	s8 =	simm.s32 $0xB900  }
0xd5: {  	[tilespmem:s8], [sflag:$0x3] =	stream.indirect_vreg.gather [hbm4b:s2+s3], $0x80, v3, vm0, $0xb8;
	[tilespmem:$0x11900] =	vst v63  }
0xd6: {  	s8 =	simm.s32 $0xC100  }
0xd7: {  	[tilespmem:s8], [sflag:$0x3] =	stream.indirect_vreg.gather [hbm4b:s5+s3], $0x80, v3, vm0, $0xb8;
	[tilespmem:$0x11900] =	vst v63  }
0xd8: {  	s8 =	simm.s32 $0xC900  }
0xd9: {  	[tilespmem:s8], [sflag:$0x3] =	stream.indirect_vreg.gather [hbm4b:s6+s3], $0x80, v3, vm0, $0xb8;
	[tilespmem:$0x11900] =	vst v63  }
0xda: {  	_ = 	snop  }
0xdb: {  	[tilespmem:s13], [sflag:$0x3] =	stream.indirect_vreg.gather [hbm4b:s7+s3], $0x80, v3, vm0, $0xb8;
	[tilespmem:$0x11900] =	vst v63  }
0xdc: {  	_ =	swait.ge [sflag:s1], $0x4000  }
0xdd: {  	[sflag:s1] =	ssyncset.done $0x0  }
0xde: {  	[sflag:s1] =	ssyncadd.s32 $0xFFFFC000  }
0xdf: {  	v3 =	vld [tilespmem:s11+$0x0];
	_ =	sdelay $0x4  }
0xe0: {  	v63 =	vshll.u32 v3, $0x3  }
0xe1: {  	v3 =	vand.u32 $0x7, v3;
	v4 =	vand.u32 $0xFFFFFFC0, v63  }
0xe2: {  	v3 =	vor.u32 v3, v4  }
0xe3: {  	v4 =	vperm.xlane v3, v0;
	_ =	sdelay $0x1  }
0xe4: {  	v4 =	vadd.s32 v1, v4;
	_ =	sdelay $0x4  }
0xe5: {  	[tilespmem:s15], [sflag:$0x4] =	stream.indirect_vreg.gather [hbm4b:s2+s3], $0x80, v4, vm0, $0xb8;
	[tilespmem:$0x11900] =	vst v63  }
0xe6: {  	v3 =	vperm.xlane v3, v2  }
0xe7: {  	[tilespmem:s16], [sflag:$0x4] =	stream.indirect_vreg.gather [hbm4b:s5+s3], $0x80, v4, vm0, $0xb8;
	[tilespmem:$0x11900] =	vst v63  }
0xe8: {  	v3 =	vadd.s32 v1, v3  }
0xe9: {  	[tilespmem:s17], [sflag:$0x4] =	stream.indirect_vreg.gather [hbm4b:s6+s3], $0x80, v4, vm0, $0xb8;
	[tilespmem:$0x11900] =	vst v63  }
0xea: {  	_ = 	snop  }
0xeb: {  	[tilespmem:s18], [sflag:$0x4] =	stream.indirect_vreg.gather [hbm4b:s7+s3], $0x80, v4, vm0, $0xb8;
	[tilespmem:$0x11900] =	vst v63  }
0xec: {  	_ = 	snop  }
0xed: {  	[tilespmem:s19], [sflag:$0x4] =	stream.indirect_vreg.gather [hbm4b:s2+s3], $0x80, v3, vm0, $0xb8;
	[tilespmem:$0x11900] =	vst v63  }
0xee: {  	_ = 	snop  }
0xef: {  	[tilespmem:s20], [sflag:$0x4] =	stream.indirect_vreg.gather [hbm4b:s5+s3], $0x80, v3, vm0, $0xb8;
	[tilespmem:$0x11900] =	vst v63  }
.Ltmp3:
0xf0: {  	_ = 	snop;
	(pc) =	sbr.rel .LBB2_2-.Ltmp3, $4  }
0xf1: {  	_ = 	snop  }
0xf2: {  	[tilespmem:s21], [sflag:$0x4] =	stream.indirect_vreg.gather [hbm4b:s6+s3], $0x80, v3, vm0, $0xb8;
	[tilespmem:$0x11900] =	vst v63  }
0xf3: {  	s12 =	sadd.s32 $0x2000, s12;
	s11 =	sadd.s32 $0x40, s11  }
0xf4: {  	[tilespmem:s23], [sflag:$0x4] =	stream.indirect_vreg.gather [hbm4b:s7+s3], $0x80, v3, vm0, $0xb8;
	[tilespmem:$0x11900] =	vst v63  }
.LBB2_5:
0xf5: {  	_ =	sfence.sel $0x180000  }
0xf6: {  	[bflag:$0x0] =	sbarrier.arrive $0xFFFF  }
0xf7: {  	_ =	strace $0x90000047  }
0xf8: {  	s0 =	stileid.u32;
	[bflag:$0x2] =	sbarrier.arrive $0xFFFF  }
0xf9: {  	p0 =	sne.s32 s0, $0x0;
	s0 =	rddreg [dreg:$0x3]  }
0xfa: {  	s0 =	sadd.s32 @!p0 $0x100000, s0  }
0xfb: {  	[sflag:s0] =	ssyncadd.tile.s32 @!p0 $0x1;
	_ =	shalt  }
.Lfunc_end2:
_tile_overlayer_lowered:
.L_overlay_start_2:
0xfc: {  	(tag) =	ssettag $0x2  }
0xfd: {  	s0 =	rddreg [dreg:$0x0];
	s2 =	stileid.u32  }
0xfe: {  	s1 =	rddreg [dreg:$0x1];
	p0 =	sne.s32 s2, $0x0  }
0xff: {  	s3 =	rddreg [dreg:$0x2];
	[bflag:$0x3] =	sbarrier.arrive $0xFFFF;
	s2 =	simm.s32 @!p0 $0x1C09  }
0x100: {  	[timem:s3], [sflag:s2] =	dma.local @!p0 [hbm:s0], s1  }
0x101: {  	s0 =	simm.s32 @!p0 $0x9  }
0x102: {  	_ =	swait.ge @!p0 [sflag:s0], s1  }
0x103: {  	s1 =	ssub.s32 @!p0 $0x0, s1;
	[sflag:s0] =	ssyncset.done @!p0 $0x0  }
0x104: {  	[sflag:s0] =	ssyncadd.s32 @!p0 s1  }
0x105: {  	[bflag:$0x3] =	sbarrier.arrive $0xFFFF  }
0x106: {  	_ =	shalt  }

// kernel: sparse-core-data-format-call.cloned.1.call-start
scs
called_computation_lowered:
.L_overlay_start_0:
0x0: {  	s2 =	sld [smem:$0x3FD9]  }
0x1: {  	s3 =	sld [smem:$0x3FFE];
	_ =	sdelay $0x1  }
0x2: {  	s1 =	srdreg.scid  }
0x3: {  	s0 =	sand.u32 $0x1, s1  }
0x4: {  	s18 =	sshll.u32 s0, $0xA;
	s2 =	sadd.s32 s3, s2  }
0x5: {  	s2 =	sadd.s32 s2, s18  }
0x6: {  	[smem:$0x3FC6] =	sst s2  }
0x7: {  	_ = 	snop  }
0x8: {  	s2 =	sld [smem:$0x3FD0];
	(tm) =	ssettm $0x1  }
0x9: {  	s19 =	sld [smem:$0x3FFB];
	_ =	sdelay $0x3  }
0xa: {  	_ =	strace s19  }
0xb: {  	s3 =	sld [smem:$0x3FFC];
	_ =	sdelay $0x3  }
0xc: {  	_ =	strace s3  }
0xd: {  	s3 =	sld [smem:$0x3FFD];
	_ =	sdelay $0x3  }
0xe: {  	_ =	strace s3  }
0xf: {  	_ =	strace $0x8FFFFFFF  }
0x10: {  	s20 =	sld [smem:$0x3FDB];
	_ =	sdelay $0x1  }
0x11: {  	s4 =	simm.s32 $_scs_section_size  }
0x12: {  	s5 =	simm.s32 $_size__tile_overlayer_lowered;
	s6 =	simm.s32 $_tile_overlayer_lowered  }
0x13: {  	s23 =	simm.s32 $0x1BFF;
	s22 =	sshll.u32 s6, $0x1;
	s3 =	sadd.s32 s4, s20  }
0x14: {  	s7 =	simm.s32 $0x0;
	s21 =	sshll.u32 s5, $0x1;
	s5 =	sadd.s32 s22, s3  }
0x15: {  	[timem:s7], [sflag:s23] =	dma.local [hbm:s5], s21  }
0x16: {  	_ =	swait.ge [sflag:s23], s21  }
0x17: {  	s4 =	ssub.s32 $0x0, s21;
	[sflag:s23] =	ssyncset.done $0x0  }
0x18: {  	[sflag:s23] =	ssyncadd.s32 s4;
	_ =	sdelay $0x1  }
0x19: {  	s24 =	simm.s32 $0x1B8B  }
0x1a: {  	_ =	swait.ge [sflag:s24], $0x1  }
0x1b: {  	[sflag:s24] =	ssyncset.done $0x0  }
0x1c: {  	s26 =	simm.s32 $0x1B8E;
	s25 =	sld [smem:$0x3FFE];
	[sflag:s24] =	ssyncadd.s32 $0xFFFFFFFF  }
0x1d: {  	s27 =	simm.s32 $execute0_lowered;
	[smem:$0x3FD2] =	sst s26  }
0x1e: {  	s5 =	sshll.u32 s27, $0x1;
	_ =	strace $0x80000049;
	[dreg:$0x1] =	wrdreg $0xFFFFFFFF  }
0x1f: {  	s28 =	simm.s32 $_size_execute0_lowered;
	s3 =	sadd.s32 s3, s5;
	[dreg:$0x0] =	wrdreg $0x0  }
0x20: {  	s5 =	sshll.u32 s28, $0x1;
	[dreg:$0x2] =	wrdreg s3  }
0x21: {  	[dreg:$0x3] =	wrdreg s5  }
0x22: {  	[dreg:$0x4] =	wrdreg $0xC0  }
0x23: {  	_ =	task [dreg:s7], $0x5FFFF  }
0x24: {  	[dreg:$0x1] =	wrdreg $0xFFFFFFFF  }
0x25: {  	[dreg:$0x0] =	wrdreg $0x60  }
0x26: {  	[dreg:$0x2] =	wrdreg s25  }
0x27: {  	[dreg:$0x3] =	wrdreg s2  }
0x28: {  	[dreg:$0x4] =	wrdreg $0x9  }
0x29: {  	_ =	task.clear_ibuf [dreg:s7], $0x5FFFF;
	_ =	strace $0x90000049  }
0x2a: {  	s29 =	simm.s32 $0x9;
	_ =	strace $0x8000004B  }
0x2b: {  	_ =	swait.ge [sflag:s29], $0x1  }
0x2c: {  	[sflag:s29] =	ssyncadd.s32 $0xFFFFFFFF  }
0x2d: {  	_ =	strace $0x9000004B  }
0x2e: {  	_ =	sfence  }
0x2f: {  	s30 =	sld [smem:$0x0];
	_ =	sdelay $0x2  }
0x30: {  	s31 =	sshll.u32 s1, $0xD;
	s1 =	sshrl.u32 s1, $0x2  }
0x31: {  	s3 =	sand.u32 $0x4000, s31;
	s1 =	sadd.s32 s1, s30  }
0x32: {  	s0 =	sor.u32 s3, s0;
	s1 =	sshll.u32 s1, $0x11  }
0x33: {  	s0 =	sor.u32 s1, s0  }
0x34: {  	s0 =	sadd.s32 $0x8F2B, s0  }
0x35: {  	[sflag:s0] =	ssyncadd.remote.s32 $0x1  }
0x36: {  	_ =	sfence.sel $0xFFFF  }
0x37: {  	[dreg:$0x0] =	wrdreg $0xFFFFFFFF;
	(pc) =	sbr.abs _section_cstart, $3  }
0x38: {  	[dreg:$0x1] =	wrdreg $0xFFFFFFFF  }
0x39: {  	_ =	task.clear_ibuf [dreg:s7], $0x2FFFF;
	_ =	strace $0x9FFFFFFF  }
0x3a: {  	(tm) =	ssettm $0x7FFFFFFF  }
0x3b: {  	_ =	shalt  }
tec
execute0_lowered:
.L_overlay_start_1:
0x0: {  	(tag) =	ssettag $0x1  }
0x1: {  	s0 =	srdreg.scid  }
0x2: {  	s1 =	sshll.u32 s0, $0x4  }
0x3: {  	s6 =	rddreg [dreg:$0x0];
	s0 =	stileid.u32;
	s1 =	sand.u32 $0x10, s1  }
0x4: {  	s3 =	rddreg [dreg:$0x1];
	s1 =	sor.u32 s0, s1  }
0x5: {  	s5 =	simm.s32 $0x1;
	s31 =	simm.s32 $0x2;
	s2 =	sshll.u32 s1, $0x7  }
0x6: {  	s14 =	simm.s32 $0x0;
	s8 =	simm.s32 $0x2000;
	s4 =	ssub.s32 $0x1000, s2  }
0x7: {  	s9 =	simm.s32 $0x0;
	s15 =	simm.s32 $0x0;
	s30 =	sand.u32 $0xF80, s4  }
0x8: {  	s16 =	simm.s32 $0x0;
	s10 =	simm.s32 $0x0;
	p0 =	sne.s32 s30, $0x0  }
.Ltmp0:
0x9: {  	s7 =	sshrl.u32 s4, $0xC;
	s5 =	simm.s32 @!p0 $0x0;
	(pc) =	sbr.rel .LBB1_1-.Ltmp0, $4  }
0xa: {  	s11 =	simm.s32 $0x0;
	s1 =	rddreg [dreg:$0x2];
	s5 =	sadd.s32 s5, s7  }
0xb: {  	_ =	strace $0x8000004A;
	s4 =	simm.s32 $0x1;
	s5 =	smul.u32 $0x190, s5  }
0xc: {  	s13 =	simm.s32 $0x0;
	s6 =	sadd.s32 $0x800, s6;
	[sflag:s4] =	ssyncpa.u1 $0x0  }
0xd: {  	s12 =	smov.u32 s2;
	[sflag:s31] =	ssyncpa.u1 $0x0;
	s7 =	sor.u32 $0x1, s5  }
.LBB1_4:
0xe: {  	_ =	sdelay $0x3  }
0xf: {  	[tilespmem:v0+s19+$0xFFFFFFD0 ss:$0x1] =	vst.idx.msk $0xffff, v6  }
0x10: {  	v56 =	vld.idx.msk [tilespmem:v1+s18+$0x0 ss:$0x1], $0xffff;
	[tilespmem:v0+s19+$0xFFFFFFE0 ss:$0x1] =	vst.idx.msk $0xffff, v4  }
0x11: {  	v57 =	vld.idx.msk [tilespmem:v1+s18+$0xFFFFFF90 ss:$0x1], $0xffff;
	[tilespmem:v0+s19+$0xFFFFFFF0 ss:$0x1] =	vst.idx.msk $0xffff, v2  }
0x12: {  	v58 =	vld.idx.msk [tilespmem:v1+s18+$0xFFFFFFA0 ss:$0x1], $0xffff;
	[tilespmem:v0+s19+$0x0 ss:$0x1] =	vst.idx.msk $0xffff, v3  }
0x13: {  	v59 =	vld.idx.msk [tilespmem:v1+s18+$0xFFFFFFB0 ss:$0x1], $0xffff;
	[tilespmem:v0+s19+$0x10 ss:$0x1] =	vst.idx.msk $0xffff, v5  }
0x14: {  	v60 =	vld.idx.msk [tilespmem:v1+s18+$0xFFFFFFC0 ss:$0x1], $0xffff;
	[tilespmem:v0+s19+$0x20 ss:$0x1] =	vst.idx.msk $0xffff, v7  }
0x15: {  	v61 =	vld.idx.msk [tilespmem:v1+s18+$0xFFFFFFD0 ss:$0x1], $0xffff;
	[tilespmem:v0+s18+$0x30 ss:$0x1] =	vst.idx.msk $0xffff, v56  }
0x16: {  	v62 =	vld.idx.msk [tilespmem:v1+s18+$0xFFFFFFE0 ss:$0x1], $0xffff;
	[tilespmem:v0+s18+$0xFFFFFFC0 ss:$0x1] =	vst.idx.msk $0xffff, v57  }
0x17: {  	v63 =	vld.idx.msk [tilespmem:v1+s18+$0xFFFFFFF0 ss:$0x1], $0xffff;
	s16 =	sshll.u32 s16, $0x7;
	[tilespmem:v0+s18+$0xFFFFFFD0 ss:$0x1] =	vst.idx.msk $0xffff, v58  }
0x18: {  	s30 =	sand.u32 $0x78, s14;
	s15 =	sshll.u32 s15, $0x13;
	s20 =	sand.u32 $0x380, s16;
	[tilespmem:v0+s18+$0xFFFFFFE0 ss:$0x1] =	vst.idx.msk $0xffff, v59  }
0x19: {  	s31 =	sand.u32 $0x7, s14;
	s16 =	sand.u32 $0x7FC00, s16;
	s19 =	sor.u32 s20, s30;
	[tilespmem:v0+s18+$0xFFFFFFF0 ss:$0x1] =	vst.idx.msk $0xffff, v60  }
0x1a: {  	s15 =	sadd.s32 s3, s15;
	s16 =	sadd.s32 s14, s16;
	s19 =	sshrl.u32 s19, $0x3;
	[tilespmem:v0+s18+$0x0 ss:$0x1] =	vst.idx.msk $0xffff, v61  }
0x1b: {  	s14 =	sshll.u32 s31, $0x12;
	s16 =	sand.u32 $0x7FF80, s16;
	s15 =	sadd.s32 s19, s15;
	[tilespmem:v0+s18+$0x10 ss:$0x1] =	vst.idx.msk $0xffff, v62  }
0x1c: {  	s14 =	sor.u32 $0x400, s14;
	[tilespmem:v0+s18+$0x20 ss:$0x1] =	vst.idx.msk $0xffff, v63;
	s15 =	sadd.s32 s16, s15  }
0x1d: {  	[hbm4b:s15+s14] =	stream.strided.scatter [tilespmem:s17], [sflag:$0x2], $0x4000, s8, s14, $0x38;
	[tilespmem:$0x10000] =	vst v63  }
.LBB1_5:
0x1e: {  	s17 =	sadd.s32 $0x80, s10  }
0x1f: {  	s14 =	simm.s32 $0x1;
	p1 =	sgt.s32 s17, $0x3FF  }
0x20: {  	s14 =	simm.s32 @!p1 $0x0  }
0x21: {  	s18 =	sadd.s32 s14, s11  }
0x22: {  	s20 =	smov.u32 s12;
	s14 =	sadd.s32 $0x1000, s12;
	p2 =	sgt.s32 s18, $0x31  }
0x23: {  	s20 =	smov.u32 @p2 s14  }
0x24: {  	p0 =	slt.u32 s13, $0x2;
	s17 =	simm.s32 @p1 $0x0;
	p1 =	sgt.s32 s20, $0xFFF  }
0x25: {  	s19 =	simm.s32 @!p0 $0x2;
	s20 =	smov.u32 @p1 s2;
	p1 =	sne.s32 s13, s7  }
.Ltmp1:
0x26: {  	_ =	swait.ge @!p0 [sflag:s19], $0x4000;
	(pc) =	sbr.rel @!p1 .LBB1_6-.Ltmp1, $4  }
0x27: {  	s15 =	smov.u32 s11;
	[sflag:s19] =	ssyncset.done @!p0 $0x0  }
0x28: {  	s16 =	smov.u32 s12;
	s9 =	sadd.s32 $0x4000, s9;
	[sflag:s19] =	ssyncadd.s32 @!p0 $0xFFFFC000  }
0x29: {  	s18 =	simm.s32 @p2 $0x0;
	s14 =	smov.u32 s10;
	s10 =	smov.u32 s17  }
0x2a: {  	s11 =	smov.u32 s18;
	s13 =	sadd.s32 $0x1, s13;
	s12 =	smov.u32 s20  }
.LBB1_1:
0x2b: {  	p0 =	sge.u32 s13, s5  }
0x2c: {  	s17 =	sshll.u32 @!p0 s11, $0xA  }
0x2d: {  	s18 =	sshll.u32 @!p0 s10, $0x3;
	s17 =	sand.u32 @!p0 $0xFFFFE000, s17  }
0x2e: {  	s17 =	sadd.s32 @!p0 s17, s18  }
0x2f: {  	s17 =	sshrl.u32 @!p0 s17, $0xA  }
0x30: {  	s18 =	smulhi.u32 @!p0 $0x4924925, s17  }
0x31: {  	s19 =	sshll.u32 @!p0 s11, $0x7;
	s21 =	smul.u32 @!p0 $0x1C00, s12  }
0x32: {  	s20 =	sand.u32 @!p0 $0x78, s10;
	s19 =	sand.u32 @!p0 $0x380, s19;
	s18 =	smul.u32 @!p0 $0x38, s18  }
0x33: {  	s31 =	sadd.s32 $0xFFFFFFFF, s13;
	s19 =	sor.u32 @!p0 s20, s19;
	s20 =	sadd.s32 @!p0 s6, s21  }
0x34: {  	s19 =	sshrl.u32 @!p0 s19, $0x3;
	s17 =	ssub.s32 @!p0 s17, s18;
	s18 =	sxor.u32 @!p0 $0xFFFFFFFF, s13  }
0x35: {  	s19 =	sadd.s32 @!p0 s19, s20;
	s20 =	sand.u32 @!p0 $0x7, s10;
	s18 =	sshll.u32 @!p0 s18, $0xE  }
0x36: {  	s20 =	sshll.u32 @!p0 s20, $0x12;
	s17 =	sshll.u32 @!p0 s17, $0x7;
	s18 =	sand.u32 @!p0 $0x4000, s18  }
0x37: {  	s17 =	sadd.s32 @!p0 s17, s19;
	s19 =	sor.u32 @!p0 $0x80, s20;
	s20 =	simm.s32 @!p0 $0xE000  }
0x38: {  	[tilespmem:s18], [sflag:$0x1] =	stream.strided.gather @!p0 [hbm4b:s17+s19], $0x4000, s20, s19, $0x38;
	[tilespmem:$0x10000] =	vst v63  }
0x39: {  	p0 =	sge.u32 s31, s5  }
.Ltmp2:
0x3a: {  	_ = 	snop;
	(pc) =	sbr.rel @p0 .LBB1_5-.Ltmp2, $1  }
0x3b: {  	_ =	sdelay $0x3  }
0x3c: {  	s17 =	sand.u32 $0x4000, s9  }
0x3d: {  	s18 =	sor.u32 $0x70, s17  }
0x3e: {  	v1 =	vmov s18;
	_ =	sdelay $0x1  }
0x3f: {  	_ =	swait.ge [sflag:s4], $0x4000  }
0x40: {  	[sflag:s4] =	ssyncset.done $0x0  }
0x41: {  	s19 =	simm.s32 $0x0;
	[sflag:s4] =	ssyncadd.s32 $0xFFFFC000  }
0x42: {  	s17 =	sor.u32 $0x8040, s17;
	v7 =	vld.idx.msk [tilespmem:v1+s19+$0x0 ss:$0x1], $0xffff  }
0x43: {  	v0 =	vmov s17;
	v8 =	vld.idx.msk [tilespmem:v1+s19+$0xFFFFFF90 ss:$0x1], $0xffff  }
0x44: {  	v6 =	vld.idx.msk [tilespmem:v1+s19+$0xFFFFFFA0 ss:$0x1], $0xffff  }
0x45: {  	v4 =	vld.idx.msk [tilespmem:v1+s19+$0xFFFFFFB0 ss:$0x1], $0xffff  }
0x46: {  	v2 =	vld.idx.msk [tilespmem:v1+s19+$0xFFFFFFC0 ss:$0x1], $0xffff  }
0x47: {  	s31 =	sshll.u32 s13, $0xE;
	v3 =	vld.idx.msk [tilespmem:v1+s19+$0xFFFFFFD0 ss:$0x1], $0xffff  }
0x48: {  	s17 =	sand.u32 $0x4000, s31;
	v5 =	vld.idx.msk [tilespmem:v1+s19+$0xFFFFFFE0 ss:$0x1], $0xffff;
	[tilespmem:v0+s19+$0x30 ss:$0x1] =	vst.idx.msk $0xffff, v7  }
0x49: {  	s20 =	simm.s32 $0x400;
	s18 =	simm.s32 $0x80;
	s17 =	sor.u32 $0x8000, s17;
	[tilespmem:v0+s19+$0xFFFFFFC0 ss:$0x1] =	vst.idx.msk $0xffff, v8;
	v7 =	vld.idx.msk [tilespmem:v1+s19+$0xFFFFFFF0 ss:$0x1], $0xffff  }
.LBB1_3:
0x4a: {  	p0 =	sne.s32 s20, $0xFE00;
	v8 =	vld.idx.msk [tilespmem:v1+s18+$0x0 ss:$0x1], $0xffff;
	[tilespmem:v0+s19+$0xFFFFFFD0 ss:$0x1] =	vst.idx.msk $0xffff, v6  }
0x4b: {  	v9 =	vld.idx.msk [tilespmem:v1+s18+$0xFFFFFF90 ss:$0x1], $0xffff;
	[tilespmem:v0+s19+$0xFFFFFFE0 ss:$0x1] =	vst.idx.msk $0xffff, v4  }
0x4c: {  	v6 =	vld.idx.msk [tilespmem:v1+s18+$0xFFFFFFA0 ss:$0x1], $0xffff;
	[tilespmem:v0+s19+$0xFFFFFFF0 ss:$0x1] =	vst.idx.msk $0xffff, v2  }
.Ltmp3:
0x4d: {  	v4 =	vld.idx.msk [tilespmem:v1+s18+$0xFFFFFFB0 ss:$0x1], $0xffff;
	[tilespmem:v0+s19+$0x0 ss:$0x1] =	vst.idx.msk $0xffff, v3;
	(pc) =	sbr.rel @p0 .LBB1_3-.Ltmp3, $4  }
0x4e: {  	v2 =	vld.idx.msk [tilespmem:v1+s18+$0xFFFFFFC0 ss:$0x1], $0xffff;
	[tilespmem:v0+s19+$0x10 ss:$0x1] =	vst.idx.msk $0xffff, v5  }
0x4f: {  	v3 =	vld.idx.msk [tilespmem:v1+s18+$0xFFFFFFD0 ss:$0x1], $0xffff;
	[tilespmem:v0+s19+$0x20 ss:$0x1] =	vst.idx.msk $0xffff, v7;
	s19 =	smov.u32 s18  }
0x50: {  	v5 =	vld.idx.msk [tilespmem:v1+s19+$0xFFFFFFE0 ss:$0x1], $0xffff;
	[tilespmem:v0+s19+$0x30 ss:$0x1] =	vst.idx.msk $0xffff, v8  }
0x51: {  	s18 =	sshra.s32 s20, $0x2;
	s20 =	sadd.s32 $0x200, s20;
	[tilespmem:v0+s19+$0xFFFFFFC0 ss:$0x1] =	vst.idx.msk $0xffff, v9;
	v7 =	vld.idx.msk [tilespmem:v1+s19+$0xFFFFFFF0 ss:$0x1], $0xffff  }
.Ltmp4:
0x52: {  	_ = 	snop;
	(pc) =	sbr.rel .LBB1_4-.Ltmp4, $1  }
0x53: {  	_ =	sdelay $0x3  }
.LBB1_6:
0x54: {  	_ =	sfence.sel $0x180000  }
0x55: {  	s2 =	simm.s32 $0x1;
	[bflag:$0x0] =	sbarrier.arrive $0xFFFF  }
0x56: {  	s31 =	simm.s32 $0x2;
	[sflag:s2] =	ssyncpa.u1 $0x1  }
0x57: {  	[sflag:s31] =	ssyncpa.u1 $0x1  }
0x58: {  	p0 =	sne.s32 s0, $0x0;
	_ =	strace $0x9000004A  }
0x59: {  	s0 =	sadd.s32 @!p0 $0x100000, s1;
	[bflag:$0x2] =	sbarrier.arrive $0xFFFF  }
0x5a: {  	[sflag:s0] =	ssyncadd.tile.s32 @!p0 $0x1;
	_ =	shalt  }
.Lfunc_end1:
_tile_overlayer_lowered:
.L_overlay_start_2:
0x5b: {  	(tag) =	ssettag $0x2  }
0x5c: {  	s0 =	rddreg [dreg:$0x0];
	s2 =	stileid.u32  }
0x5d: {  	s1 =	rddreg [dreg:$0x1];
	p0 =	sne.s32 s2, $0x0  }
0x5e: {  	s3 =	rddreg [dreg:$0x2];
	[bflag:$0x3] =	sbarrier.arrive $0xFFFF;
	s2 =	simm.s32 @!p0 $0x1C01  }
0x5f: {  	[timem:s3], [sflag:s2] =	dma.local @!p0 [hbm:s0], s1  }
0x60: {  	s0 =	simm.s32 @!p0 $0x1  }
0x61: {  	_ =	swait.ge @!p0 [sflag:s0], s1  }
0x62: {  	s1 =	ssub.s32 @!p0 $0x0, s1;
	[sflag:s0] =	ssyncset.done @!p0 $0x0  }
0x63: {  	[sflag:s0] =	ssyncadd.s32 @!p0 s1  }
0x64: {  	[bflag:$0x3] =	sbarrier.arrive $0xFFFF  }
0x65: {  	_ =	shalt  }

</sc_bundles>
